<compile_context>
chip_gen: v7x
topology: tpu7x:2x2x1
jax: 0.10.2.dev20260603
libtpu: 0.0.44.dev20260713+nightly
codegen_flags: <defaults>
</compile_context>

<pallas_src>
import functools

import jax
import jax.numpy as jnp
from jax import lax
from jax.experimental import pallas as pl
from jax.experimental.pallas import tpu as pltpu
from jax.experimental.pallas import tpu_sc as plsc

MASK_ID = 600
KP = 640
WPAD = 64
NEG = -1e20


def _dot(a, b, dims):
    return lax.dot_general(a, b, (dims, ((), ())),
                           preferred_element_type=jnp.float32)


def _score_body(q_ref, k_ref, wq_ref, wk_ref, s_ref):
    qp = _dot(q_ref[0], wq_ref[...], ((1,), (1,)))
    kp = _dot(k_ref[0], wk_ref[...], ((1,), (1,)))
    s_ref[...] = _dot(qp, kp, ((1,), (1,)))


def _vp_body(v_ref, wv_ref, vp_ref):
    vp_ref[0] = _dot(v_ref[0], wv_ref[...], ((1,), (1,)))


def _out_body(a_ref, vp_ref, wf_ref, bf_ref, o_ref):
    x = _dot(a_ref[...], vp_ref[0], ((1,), (0,)))
    o_ref[0] = _dot(x, wf_ref[...], ((1,), (1,))) + bf_ref[...]


def _make_sc_attend(n_rows, w):
    info = plsc.get_sparse_core_info()
    nc, ns = info.num_cores, info.num_subcores
    nw = nc * ns
    rows_per = n_rows // nw

    mesh = plsc.VectorSubcoreMesh(core_axis_name="c", subcore_axis_name="s")

    n_g = rows_per // 16
    n_t = n_g // 2

    scratch = [
        pltpu.VMEM((rows_per, KP), jnp.float32),
        pltpu.VMEM((rows_per * w,), jnp.int32),
        pltpu.VMEM((rows_per * w,), jnp.float32),
        pltpu.VMEM((rows_per, KP), jnp.float32),
        pltpu.VMEM((w * 16,), jnp.float32),
        pltpu.SemaphoreType.DMA,
        pltpu.SemaphoreType.DMA,
        pltpu.SemaphoreType.DMA,
        pltpu.SemaphoreType.DMA,
    ]

    @functools.partial(
        pl.kernel,
        mesh=mesh,
        compiler_params=pltpu.CompilerParams(needs_layout_passes=False),
        out_type=[
            jax.ShapeDtypeStruct((n_rows * w,), jnp.float32),
            jax.ShapeDtypeStruct((n_rows, KP), jnp.float32),
        ],
        scratch_types=scratch,
    )
    def sc_attend(s_hbm, idx_hbm, attn_hbm, a_hbm, s_v, idx_v, attn_v, a_v,
                  e_buf, sem_e, sem_o, a_sem, at_sem):
        wid = lax.axis_index("s") * nc + lax.axis_index("c")
        rbase = wid * rows_per

        lane = lax.iota(jnp.int32, 16)
        zero16 = jnp.zeros((16,), jnp.float32)
        neg16 = jnp.full((16,), NEG, jnp.float32)
        one16 = jnp.ones((16,), jnp.float32)

        def s_copy(g, sem):
            return pltpu.make_async_copy(
                s_hbm.at[pl.ds(rbase + g * 16, 16)],
                s_v.at[pl.ds(g * 16, 16)], sem)

        def a_copy(g):
            return pltpu.make_async_copy(
                a_v.at[pl.ds(g * 16, 16)],
                a_hbm.at[pl.ds(rbase + g * 16, 16)], a_sem)

        def at_copy(g):
            return pltpu.make_async_copy(
                attn_v.at[pl.ds(g * 16 * w, 16 * w)],
                attn_hbm.at[pl.ds((rbase + g * 16) * w, 16 * w)], at_sem)

        s_copy(0, sem_e).start()
        s_copy(1, sem_o).start()
        pltpu.sync_copy(idx_hbm.at[pl.ds(rbase * w, rows_per * w)], idx_v)

        def group(g, sem):
            def zbody(r, c):
                for u in range(KP // 16):
                    a_v[g * 16 + r, pl.ds(u * 16, 16)] = zero16
                return c

            lax.fori_loop(0, 16, zbody, 0)
            s_copy(g, sem).wait()

            row16 = g * 16 + lane
            idx_off = row16 * w

            def pass1(wi, carry):
                mx, sm = carry
                iw = plsc.load_gather(idx_v, [idx_off + wi])
                e = plsc.load_gather(s_v, [row16, iw])
                e = jnp.where(iw == MASK_ID, neg16, e)
                e_buf[pl.ds(wi * 16, 16)] = e
                nmx = jnp.maximum(mx, e)
                sm = sm * jnp.exp(mx - nmx) + jnp.exp(e - nmx)
                return nmx, sm

            mx, sm = lax.fori_loop(0, w, pass1, (neg16, zero16))
            inv = one16 / sm

            def pass2(wi, carry):
                e = e_buf[pl.ds(wi * 16, 16)]
                aw = jnp.exp(e - mx) * inv
                iw = plsc.load_gather(idx_v, [idx_off + wi])
                plsc.store_scatter(attn_v, [idx_off + wi], aw)
                plsc.addupdate_scatter(a_v, [row16, iw], aw)
                return carry

            lax.fori_loop(0, w, pass2, 0)
            a_copy(g).start()
            at_copy(g).start()

        def tbody(t, c):
            g0 = 2 * t

            group(g0, sem_e)

            @pl.when(t + 1 < n_t)
            def _():
                s_copy(g0 + 2, sem_e).start()

            group(g0 + 1, sem_o)

            @pl.when(t + 1 < n_t)
            def _():
                s_copy(g0 + 3, sem_o).start()

            return c

        lax.fori_loop(0, n_t, tbody, 0)

        def drain(g, c):
            a_copy(g).wait()
            at_copy(g).wait()
            return c

        lax.fori_loop(0, n_g, drain, 0)

    return sc_attend


def kernel(value, key, query, mask_ori, Wv, Wk, Wq, Wf, bf):
    n, l, hd = query.shape
    vd = value.shape[2]
    w = mask_ori.shape[2]
    nl = n * l

    scores = pl.pallas_call(
        _score_body,
        grid=(n,),
        in_specs=[
            pl.BlockSpec((1, l, hd), lambda i: (i, 0, 0)),
            pl.BlockSpec((1, KP, hd), lambda i: (i, 0, 0)),
            pl.BlockSpec((hd, hd), lambda i: (0, 0)),
            pl.BlockSpec((hd, hd), lambda i: (0, 0)),
        ],
        out_specs=pl.BlockSpec((l, KP), lambda i: (i, 0)),
        out_shape=jax.ShapeDtypeStruct((nl, KP), jnp.float32),
    )(query, key, Wq, Wk)

    attn_flat, a_dense = _make_sc_attend(nl, w)(
        scores, mask_ori.reshape(nl * w))

    attn = attn_flat.reshape(n, l, w)

    vp = pl.pallas_call(
        _vp_body,
        grid=(n,),
        in_specs=[
            pl.BlockSpec((1, KP, vd), lambda i: (i, 0, 0)),
            pl.BlockSpec((vd, vd), lambda i: (0, 0)),
        ],
        out_specs=pl.BlockSpec((1, KP, vd), lambda i: (i, 0, 0)),
        out_shape=jax.ShapeDtypeStruct((n, KP, vd), jnp.float32),
    )(value, Wv)

    out = pl.pallas_call(
        _out_body,
        grid=(n,),
        in_specs=[
            pl.BlockSpec((l, KP), lambda i: (i, 0)),
            pl.BlockSpec((1, KP, vd), lambda i: (i, 0, 0)),
            pl.BlockSpec((vd, vd), lambda i: (0, 0)),
            pl.BlockSpec((1, vd), lambda i: (0, 0)),
        ],
        out_specs=pl.BlockSpec((1, l, vd), lambda i: (i, 0, 0)),
        out_shape=jax.ShapeDtypeStruct((n, l, vd), jnp.float32),
    )(a_dense, vp, Wf, bf.reshape(1, vd))

    return out, attn

# --- scband reference (transcript-rebuilt; emitter-appended) ---
"""Pipeline reference for scband-self-attention-36790689858288 (READ-ONLY COPY).

The authoritative reference and input builder live on the scoring server;
editing this copy changes nothing except your own understanding.
"""

import jax, jax.numpy as jnp
import numpy as np

EMBED_SIZE = 512
HEADS = 1
HEAD_DIM = (2 * EMBED_SIZE) // HEADS      # 1024
VEMBED = EMBED_SIZE // 2                  # 256
VHEAD_DIM = VEMBED // HEADS               # 256
LONGEST_WINDOW = 600
N, L, W = 2, 1024, 50


def setup_inputs(seed: int = 0) -> dict:
    key = jax.random.key(seed)
    ks = jax.random.split(key, 10)
    value = jax.random.normal(ks[0], (N, L, VHEAD_DIM), dtype=jnp.float32)
    k_in = jax.random.normal(ks[1], (N, L, HEAD_DIM), dtype=jnp.float32)
    q_in = jax.random.normal(ks[2], (N, L, HEAD_DIM), dtype=jnp.float32)
    mask_ori = jax.random.randint(ks[3], (N, L, W), 0, 601, dtype=jnp.int32)
    Wv = jax.random.normal(ks[4], (VHEAD_DIM, VHEAD_DIM), dtype=jnp.float32) / np.sqrt(VHEAD_DIM)
    Wk = jax.random.normal(ks[5], (HEAD_DIM, HEAD_DIM), dtype=jnp.float32) / np.sqrt(HEAD_DIM)
    Wq = jax.random.normal(ks[6], (HEAD_DIM, HEAD_DIM), dtype=jnp.float32) / np.sqrt(HEAD_DIM)
    Wf = jax.random.normal(ks[7], (VEMBED, VHEAD_DIM * HEADS), dtype=jnp.float32) / np.sqrt(VHEAD_DIM)
    bf = jnp.zeros((VEMBED,), dtype=jnp.float32)
    return {"value": value, "key": k_in, "query": q_in, "mask_ori": mask_ori,
            "Wv": Wv, "Wk": Wk, "Wq": Wq, "Wf": Wf, "bf": bf}


def reference(value, key, query, mask_ori, Wv, Wk, Wq, Wf, bf):
    n, l = query.shape[0], query.shape[1]
    value_len, key_len = value.shape[1], key.shape[1]
    # nn.Linear (no bias) projections on the per-head feature dims
    v = value @ Wv.T
    k = key @ Wk.T
    q = query @ Wq.T
    v = v.reshape(n, value_len, HEADS, VHEAD_DIM)
    k = k.reshape(n, key_len, HEADS, HEAD_DIM)
    q = q.reshape(n, l, HEADS, HEAD_DIM)
    # heads == 1, so the loop body executes exactly once (i = 0)
    i = 0
    q_i = q[:, :, i, :].reshape(n * l, 1, HEAD_DIM)
    k_i = jnp.concatenate([k[:, :, i, :], jnp.zeros((n, 1, HEAD_DIM), dtype=k.dtype)], axis=1)
    idx = mask_ori.astype(jnp.int32)
    m = jnp.broadcast_to(idx[..., None], (n, l, idx.shape[2], HEAD_DIM))
    s1, s2, s3, s4 = m.shape
    m = m.reshape(s1, s2 * s3, s4)
    new_k = jnp.take_along_axis(k_i, m, axis=1).reshape(s1, s2, s3, s4)
    new_k = jnp.transpose(new_k, (0, 1, 3, 2)).reshape(s1 * s2, s4, s3)
    mask_r = idx.reshape(s1 * s2, 1, s3)
    energy = jnp.matmul(q_i, new_k)  # [N*L, 1, W]
    energy = jnp.where(mask_r == LONGEST_WINDOW, jnp.asarray(-1e20, energy.dtype), energy)
    attn = jax.nn.softmax(energy, axis=-1)
    v_i = jnp.concatenate([v[:, :, i, :], jnp.zeros((n, 1, VHEAD_DIM), dtype=v.dtype)], axis=1)
    vm = jnp.broadcast_to(idx[..., None], (n, l, s3, VHEAD_DIM)).reshape(n, l * s3, VHEAD_DIM)
    new_v = jnp.take_along_axis(v_i, vm, axis=1).reshape(n, l, s3, VHEAD_DIM).reshape(n * l, s3, VHEAD_DIM)
    out_i = jnp.matmul(attn, new_v).reshape(n, l, VHEAD_DIM)
    out = out_i @ Wf.T + bf
    return out, attn.reshape(n, l, -1)


if False:  # reference __main__ guard neutralized (emitter)
    inp = setup_inputs()
    o, a = reference(**inp)
    print(o.shape, a.shape)

if __name__ == "__main__":
    import jax
    _d = setup_inputs()
    print(jax.jit(kernel)(*tuple(_d.values())))

</pallas_src>

<mosaic_0001>
#map = affine_map<(d0, d1) -> (0, 0)>
#map1 = affine_map<(d0, d1) -> (0)>
module attributes {stable_mosaic.version = 14 : i64} {
  func.func @sc_attend(%arg0: i32, %arg1: i32, %arg2: memref<2048x640xf32, #tpu.memory_space<hbm>>, %arg3: memref<102400xi32, #tpu.memory_space<hbm>>, %arg4: memref<102400xf32, #tpu.memory_space<hbm>>, %arg5: memref<2048x640xf32, #tpu.memory_space<hbm>>, %arg6: memref<64x640xf32, #tpu.memory_space<vmem>>, %arg7: memref<3200xi32, #tpu.memory_space<vmem>>, %arg8: memref<3200xf32, #tpu.memory_space<vmem>>, %arg9: memref<64x640xf32, #tpu.memory_space<vmem>>, %arg10: memref<800xf32, #tpu.memory_space<vmem>>, %arg11: memref<!tpu.dma_semaphore, #tpu.memory_space<semaphore_mem>>, %arg12: memref<!tpu.dma_semaphore, #tpu.memory_space<semaphore_mem>>, %arg13: memref<!tpu.dma_semaphore, #tpu.memory_space<semaphore_mem>>, %arg14: memref<!tpu.dma_semaphore, #tpu.memory_space<semaphore_mem>>) attributes {dimension_semantics = [#tpu.dimension_semantics<core_parallel>, #tpu.dimension_semantics<subcore_parallel>], iteration_bounds = array<i64: 2, 16>, scalar_prefetch = 0 : i64, scratch_operands = 9 : i64, tpu.core_type = #tpu.core_type<sc_vector_subcore>, window_params = [{transform_indices = #map}, {transform_indices = #map1}, {transform_indices = #map1}, {transform_indices = #map}]} {
    %mul3A = arith.constant 2 : i32
    %mul3A_0 = arith.muli %arg1, %mul3A : i32
    %add3A = arith.addi %mul3A_0, %arg0 : i32
    %mul3A_1 = arith.constant 64 : i32
    %mul3A_2 = arith.muli %add3A, %mul3A_1 : i32
    %iota3A = tpu.iota {dimensions = array<i32: 0>} : vector<16xi32>
    %broadcast_in_dim3A = arith.constant 0.000000e+00 : f32
    %broadcast_in_dim3A_3 = vector.broadcast %broadcast_in_dim3A : f32 to vector<16xf32>
    %broadcast_in_dim3A_4 = arith.constant -1.000000e+20 : f32
    %broadcast_in_dim3A_5 = vector.broadcast %broadcast_in_dim3A_4 : f32 to vector<16xf32>
    %broadcast_in_dim3A_6 = arith.constant 1.000000e+00 : f32
    %broadcast_in_dim3A_7 = vector.broadcast %broadcast_in_dim3A_6 : f32 to vector<16xf32>
    %add3A_8 = arith.constant 0 : i32
    %add3A_9 = arith.addi %mul3A_2, %add3A_8 : i32
    %dma_start3A = arith.constant 0 : i32
    %dma_start3A_10 = arith.constant 0 : i32
    %dma_start3A_11 = tpu.memref_slice %arg6[%dma_start3A, %dma_start3A_10] : memref<64x640xf32, #tpu.memory_space<vmem>> -> memref<16x640xf32, #tpu.memory_space<vmem>>
    %dma_start3A_12 = arith.constant 0 : i32
    %dma_start3A_13 = tpu.memref_slice %arg2[%add3A_9, %dma_start3A_12] : memref<2048x640xf32, #tpu.memory_space<hbm>> -> memref<16x640xf32, #tpu.memory_space<hbm>>
    %dma_start3A_14 = arith.constant 0 : i32
    %dma_start3A_15 = arith.constant 0 : i32
    %dma_start3A_16 = tpu.memref_slice %arg6[%dma_start3A_14, %dma_start3A_15] : memref<64x640xf32, #tpu.memory_space<vmem>> -> memref<16x640xf32, #tpu.memory_space<vmem>>
    %dma_start3A_17 = arith.constant 0 : i32
    %dma_start3A_18 = tpu.memref_slice %arg2[%add3A_9, %dma_start3A_17] : memref<2048x640xf32, #tpu.memory_space<hbm>> -> memref<16x640xf32, #tpu.memory_space<hbm>>
    tpu.enqueue_dma source(%dma_start3A_18 : memref<16x640xf32, #tpu.memory_space<hbm>>) target(%dma_start3A_16 : memref<16x640xf32, #tpu.memory_space<vmem>>) target_semaphore(%arg11 : memref<!tpu.dma_semaphore, #tpu.memory_space<semaphore_mem>>)
    %add3A_19 = arith.constant 16 : i32
    %add3A_20 = arith.addi %mul3A_2, %add3A_19 : i32
    %dma_start3A_21 = arith.constant 16 : i32
    %dma_start3A_22 = arith.constant 0 : i32
    %dma_start3A_23 = tpu.memref_slice %arg6[%dma_start3A_21, %dma_start3A_22] : memref<64x640xf32, #tpu.memory_space<vmem>> -> memref<16x640xf32, #tpu.memory_space<vmem>>
    %dma_start3A_24 = arith.constant 0 : i32
    %dma_start3A_25 = tpu.memref_slice %arg2[%add3A_20, %dma_start3A_24] : memref<2048x640xf32, #tpu.memory_space<hbm>> -> memref<16x640xf32, #tpu.memory_space<hbm>>
    %dma_start3A_26 = arith.constant 16 : i32
    %dma_start3A_27 = arith.constant 0 : i32
    %dma_start3A_28 = tpu.memref_slice %arg6[%dma_start3A_26, %dma_start3A_27] : memref<64x640xf32, #tpu.memory_space<vmem>> -> memref<16x640xf32, #tpu.memory_space<vmem>>
    %dma_start3A_29 = arith.constant 0 : i32
    %dma_start3A_30 = tpu.memref_slice %arg2[%add3A_20, %dma_start3A_29] : memref<2048x640xf32, #tpu.memory_space<hbm>> -> memref<16x640xf32, #tpu.memory_space<hbm>>
    tpu.enqueue_dma source(%dma_start3A_30 : memref<16x640xf32, #tpu.memory_space<hbm>>) target(%dma_start3A_28 : memref<16x640xf32, #tpu.memory_space<vmem>>) target_semaphore(%arg12 : memref<!tpu.dma_semaphore, #tpu.memory_space<semaphore_mem>>)
    %mul3A_31 = arith.constant 50 : i32
    %mul3A_32 = arith.muli %mul3A_2, %mul3A_31 : i32
    "tpu.region"() ({
      %run_scoped3A = tpu.sem_alloc : memref<!tpu.dma_semaphore, #tpu.memory_space<semaphore_mem>>
      %dma_start3A_44 = tpu.memref_slice %arg3[%mul3A_32] : memref<102400xi32, #tpu.memory_space<hbm>> -> memref<3200xi32, #tpu.memory_space<hbm>>
      %dma_start3A_45 = tpu.memref_slice %arg3[%mul3A_32] : memref<102400xi32, #tpu.memory_space<hbm>> -> memref<3200xi32, #tpu.memory_space<hbm>>
      tpu.enqueue_dma source(%dma_start3A_45 : memref<3200xi32, #tpu.memory_space<hbm>>) target(%arg7 : memref<3200xi32, #tpu.memory_space<vmem>>) target_semaphore(%run_scoped3A : memref<!tpu.dma_semaphore, #tpu.memory_space<semaphore_mem>>)
      %dma_wait3A = tpu.memref_slice %arg3[%mul3A_32] : memref<102400xi32, #tpu.memory_space<hbm>> -> memref<3200xi32, #tpu.memory_space<hbm>>
      %dma_wait3A_46 = tpu.memref_slice %arg3[%mul3A_32] : memref<102400xi32, #tpu.memory_space<hbm>> -> memref<3200xi32, #tpu.memory_space<hbm>>
      tpu.wait_dma2 semaphore(%run_scoped3A : memref<!tpu.dma_semaphore, #tpu.memory_space<semaphore_mem>>) src(%dma_wait3A_46 : memref<3200xi32, #tpu.memory_space<hbm>>) dst(%arg7 : memref<3200xi32, #tpu.memory_space<vmem>>)
      tpu.yield
    }) : () -> ()
    %scan3A = arith.constant 0 : i32
    %scan3A_33 = arith.constant 0 : i32
    %scan3A_34 = arith.constant 2 : i32
    %scan3A_35 = arith.addi %scan3A_33, %scan3A_34 : i32
    %scan3A_36 = arith.constant 1 : i32
    scf.for %scan3A_44 = %scan3A_33 to %scan3A_35 step %scan3A_36  : i32 {
      %mul3A_45 = arith.constant 2 : i32
      %mul3A_46 = arith.muli %mul3A_45, %scan3A_44 : i32
      %scan3A_47 = arith.constant 0 : i32
      %scan3A_48 = arith.constant 0 : i32
      %scan3A_49 = arith.constant 16 : i32
      %scan3A_50 = arith.addi %scan3A_48, %scan3A_49 : i32
      %scan3A_51 = arith.constant 1 : i32
      scf.for %scan3A_188 = %scan3A_48 to %scan3A_50 step %scan3A_51  : i32 {
        %mul3A_189 = arith.constant 16 : i32
        %mul3A_190 = arith.muli %mul3A_46, %mul3A_189 : i32
        %add3A_191 = arith.addi %mul3A_190, %scan3A_188 : i32
        %swap3A = arith.index_cast %add3A_191 : i32 to index
        %swap3A_192 = arith.constant 0 : index
        %swap3A_193 = tpu.vector_load %arg9[%swap3A, %swap3A_192] {strides = array<i32>} : memref<64x640xf32, #tpu.memory_space<vmem>>, vector<16xf32>,
        tpu.vector_store %arg9[%swap3A, %swap3A_192], %broadcast_in_dim3A_3 {strides = array<i32>} : memref<64x640xf32, #tpu.memory_space<vmem>>, vector<16xf32>,
        %mul3A_194 = arith.constant 16 : i32
        %mul3A_195 = arith.muli %mul3A_46, %mul3A_194 : i32
        %add3A_196 = arith.addi %mul3A_195, %scan3A_188 : i32
        %swap3A_197 = arith.index_cast %add3A_196 : i32 to index
        %swap3A_198 = arith.constant 16 : index
        %swap3A_199 = tpu.vector_load %arg9[%swap3A_197, %swap3A_198] {strides = array<i32>} : memref<64x640xf32, #tpu.memory_space<vmem>>, vector<16xf32>,
        tpu.vector_store %arg9[%swap3A_197, %swap3A_198], %broadcast_in_dim3A_3 {strides = array<i32>} : memref<64x640xf32, #tpu.memory_space<vmem>>, vector<16xf32>,
        %mul3A_200 = arith.constant 16 : i32
        %mul3A_201 = arith.muli %mul3A_46, %mul3A_200 : i32
        %add3A_202 = arith.addi %mul3A_201, %scan3A_188 : i32
        %swap3A_203 = arith.index_cast %add3A_202 : i32 to index
        %swap3A_204 = arith.constant 32 : index
        %swap3A_205 = tpu.vector_load %arg9[%swap3A_203, %swap3A_204] {strides = array<i32>} : memref<64x640xf32, #tpu.memory_space<vmem>>, vector<16xf32>,
        tpu.vector_store %arg9[%swap3A_203, %swap3A_204], %broadcast_in_dim3A_3 {strides = array<i32>} : memref<64x640xf32, #tpu.memory_space<vmem>>, vector<16xf32>,
        %mul3A_206 = arith.constant 16 : i32
        %mul3A_207 = arith.muli %mul3A_46, %mul3A_206 : i32
        %add3A_208 = arith.addi %mul3A_207, %scan3A_188 : i32
        %swap3A_209 = arith.index_cast %add3A_208 : i32 to index
        %swap3A_210 = arith.constant 48 : index
        %swap3A_211 = tpu.vector_load %arg9[%swap3A_209, %swap3A_210] {strides = array<i32>} : memref<64x640xf32, #tpu.memory_space<vmem>>, vector<16xf32>,
        tpu.vector_store %arg9[%swap3A_209, %swap3A_210], %broadcast_in_dim3A_3 {strides = array<i32>} : memref<64x640xf32, #tpu.memory_space<vmem>>, vector<16xf32>,
        %mul3A_212 = arith.constant 16 : i32
        %mul3A_213 = arith.muli %mul3A_46, %mul3A_212 : i32
        %add3A_214 = arith.addi %mul3A_213, %scan3A_188 : i32
        %swap3A_215 = arith.index_cast %add3A_214 : i32 to index
        %swap3A_216 = arith.constant 64 : index
        %swap3A_217 = tpu.vector_load %arg9[%swap3A_215, %swap3A_216] {strides = array<i32>} : memref<64x640xf32, #tpu.memory_space<vmem>>, vector<16xf32>,
        tpu.vector_store %arg9[%swap3A_215, %swap3A_216], %broadcast_in_dim3A_3 {strides = array<i32>} : memref<64x640xf32, #tpu.memory_space<vmem>>, vector<16xf32>,
        %mul3A_218 = arith.constant 16 : i32
        %mul3A_219 = arith.muli %mul3A_46, %mul3A_218 : i32
        %add3A_220 = arith.addi %mul3A_219, %scan3A_188 : i32
        %swap3A_221 = arith.index_cast %add3A_220 : i32 to index
        %swap3A_222 = arith.constant 80 : index
        %swap3A_223 = tpu.vector_load %arg9[%swap3A_221, %swap3A_222] {strides = array<i32>} : memref<64x640xf32, #tpu.memory_space<vmem>>, vector<16xf32>,
        tpu.vector_store %arg9[%swap3A_221, %swap3A_222], %broadcast_in_dim3A_3 {strides = array<i32>} : memref<64x640xf32, #tpu.memory_space<vmem>>, vector<16xf32>,
        %mul3A_224 = arith.constant 16 : i32
        %mul3A_225 = arith.muli %mul3A_46, %mul3A_224 : i32
        %add3A_226 = arith.addi %mul3A_225, %scan3A_188 : i32
        %swap3A_227 = arith.index_cast %add3A_226 : i32 to index
        %swap3A_228 = arith.constant 96 : index
        %swap3A_229 = tpu.vector_load %arg9[%swap3A_227, %swap3A_228] {strides = array<i32>} : memref<64x640xf32, #tpu.memory_space<vmem>>, vector<16xf32>,
        tpu.vector_store %arg9[%swap3A_227, %swap3A_228], %broadcast_in_dim3A_3 {strides = array<i32>} : memref<64x640xf32, #tpu.memory_space<vmem>>, vector<16xf32>,
        %mul3A_230 = arith.constant 16 : i32
        %mul3A_231 = arith.muli %mul3A_46, %mul3A_230 : i32
        %add3A_232 = arith.addi %mul3A_231, %scan3A_188 : i32
        %swap3A_233 = arith.index_cast %add3A_232 : i32 to index
        %swap3A_234 = arith.constant 112 : index
        %swap3A_235 = tpu.vector_load %arg9[%swap3A_233, %swap3A_234] {strides = array<i32>} : memref<64x640xf32, #tpu.memory_space<vmem>>, vector<16xf32>,
        tpu.vector_store %arg9[%swap3A_233, %swap3A_234], %broadcast_in_dim3A_3 {strides = array<i32>} : memref<64x640xf32, #tpu.memory_space<vmem>>, vector<16xf32>,
        %mul3A_236 = arith.constant 16 : i32
        %mul3A_237 = arith.muli %mul3A_46, %mul3A_236 : i32
        %add3A_238 = arith.addi %mul3A_237, %scan3A_188 : i32
        %swap3A_239 = arith.index_cast %add3A_238 : i32 to index
        %swap3A_240 = arith.constant 128 : index
        %swap3A_241 = tpu.vector_load %arg9[%swap3A_239, %swap3A_240] {strides = array<i32>} : memref<64x640xf32, #tpu.memory_space<vmem>>, vector<16xf32>,
        tpu.vector_store %arg9[%swap3A_239, %swap3A_240], %broadcast_in_dim3A_3 {strides = array<i32>} : memref<64x640xf32, #tpu.memory_space<vmem>>, vector<16xf32>,
        %mul3A_242 = arith.constant 16 : i32
        %mul3A_243 = arith.muli %mul3A_46, %mul3A_242 : i32
        %add3A_244 = arith.addi %mul3A_243, %scan3A_188 : i32
        %swap3A_245 = arith.index_cast %add3A_244 : i32 to index
        %swap3A_246 = arith.constant 144 : index
        %swap3A_247 = tpu.vector_load %arg9[%swap3A_245, %swap3A_246] {strides = array<i32>} : memref<64x640xf32, #tpu.memory_space<vmem>>, vector<16xf32>,
        tpu.vector_store %arg9[%swap3A_245, %swap3A_246], %broadcast_in_dim3A_3 {strides = array<i32>} : memref<64x640xf32, #tpu.memory_space<vmem>>, vector<16xf32>,
        %mul3A_248 = arith.constant 16 : i32
        %mul3A_249 = arith.muli %mul3A_46, %mul3A_248 : i32
        %add3A_250 = arith.addi %mul3A_249, %scan3A_188 : i32
        %swap3A_251 = arith.index_cast %add3A_250 : i32 to index
        %swap3A_252 = arith.constant 160 : index
        %swap3A_253 = tpu.vector_load %arg9[%swap3A_251, %swap3A_252] {strides = array<i32>} : memref<64x640xf32, #tpu.memory_space<vmem>>, vector<16xf32>,
        tpu.vector_store %arg9[%swap3A_251, %swap3A_252], %broadcast_in_dim3A_3 {strides = array<i32>} : memref<64x640xf32, #tpu.memory_space<vmem>>, vector<16xf32>,
        %mul3A_254 = arith.constant 16 : i32
        %mul3A_255 = arith.muli %mul3A_46, %mul3A_254 : i32
        %add3A_256 = arith.addi %mul3A_255, %scan3A_188 : i32
        %swap3A_257 = arith.index_cast %add3A_256 : i32 to index
        %swap3A_258 = arith.constant 176 : index
        %swap3A_259 = tpu.vector_load %arg9[%swap3A_257, %swap3A_258] {strides = array<i32>} : memref<64x640xf32, #tpu.memory_space<vmem>>, vector<16xf32>,
        tpu.vector_store %arg9[%swap3A_257, %swap3A_258], %broadcast_in_dim3A_3 {strides = array<i32>} : memref<64x640xf32, #tpu.memory_space<vmem>>, vector<16xf32>,
        %mul3A_260 = arith.constant 16 : i32
        %mul3A_261 = arith.muli %mul3A_46, %mul3A_260 : i32
        %add3A_262 = arith.addi %mul3A_261, %scan3A_188 : i32
        %swap3A_263 = arith.index_cast %add3A_262 : i32 to index
        %swap3A_264 = arith.constant 192 : index
        %swap3A_265 = tpu.vector_load %arg9[%swap3A_263, %swap3A_264] {strides = array<i32>} : memref<64x640xf32, #tpu.memory_space<vmem>>, vector<16xf32>,
        tpu.vector_store %arg9[%swap3A_263, %swap3A_264], %broadcast_in_dim3A_3 {strides = array<i32>} : memref<64x640xf32, #tpu.memory_space<vmem>>, vector<16xf32>,
        %mul3A_266 = arith.constant 16 : i32
        %mul3A_267 = arith.muli %mul3A_46, %mul3A_266 : i32
        %add3A_268 = arith.addi %mul3A_267, %scan3A_188 : i32
        %swap3A_269 = arith.index_cast %add3A_268 : i32 to index
        %swap3A_270 = arith.constant 208 : index
        %swap3A_271 = tpu.vector_load %arg9[%swap3A_269, %swap3A_270] {strides = array<i32>} : memref<64x640xf32, #tpu.memory_space<vmem>>, vector<16xf32>,
        tpu.vector_store %arg9[%swap3A_269, %swap3A_270], %broadcast_in_dim3A_3 {strides = array<i32>} : memref<64x640xf32, #tpu.memory_space<vmem>>, vector<16xf32>,
        %mul3A_272 = arith.constant 16 : i32
        %mul3A_273 = arith.muli %mul3A_46, %mul3A_272 : i32
        %add3A_274 = arith.addi %mul3A_273, %scan3A_188 : i32
        %swap3A_275 = arith.index_cast %add3A_274 : i32 to index
        %swap3A_276 = arith.constant 224 : index
        %swap3A_277 = tpu.vector_load %arg9[%swap3A_275, %swap3A_276] {strides = array<i32>} : memref<64x640xf32, #tpu.memory_space<vmem>>, vector<16xf32>,
        tpu.vector_store %arg9[%swap3A_275, %swap3A_276], %broadcast_in_dim3A_3 {strides = array<i32>} : memref<64x640xf32, #tpu.memory_space<vmem>>, vector<16xf32>,
        %mul3A_278 = arith.constant 16 : i32
        %mul3A_279 = arith.muli %mul3A_46, %mul3A_278 : i32
        %add3A_280 = arith.addi %mul3A_279, %scan3A_188 : i32
        %swap3A_281 = arith.index_cast %add3A_280 : i32 to index
        %swap3A_282 = arith.constant 240 : index
        %swap3A_283 = tpu.vector_load %arg9[%swap3A_281, %swap3A_282] {strides = array<i32>} : memref<64x640xf32, #tpu.memory_space<vmem>>, vector<16xf32>,
        tpu.vector_store %arg9[%swap3A_281, %swap3A_282], %broadcast_in_dim3A_3 {strides = array<i32>} : memref<64x640xf32, #tpu.memory_space<vmem>>, vector<16xf32>,
        %mul3A_284 = arith.constant 16 : i32
        %mul3A_285 = arith.muli %mul3A_46, %mul3A_284 : i32
        %add3A_286 = arith.addi %mul3A_285, %scan3A_188 : i32
        %swap3A_287 = arith.index_cast %add3A_286 : i32 to index
        %swap3A_288 = arith.constant 256 : index
        %swap3A_289 = tpu.vector_load %arg9[%swap3A_287, %swap3A_288] {strides = array<i32>} : memref<64x640xf32, #tpu.memory_space<vmem>>, vector<16xf32>,
        tpu.vector_store %arg9[%swap3A_287, %swap3A_288], %broadcast_in_dim3A_3 {strides = array<i32>} : memref<64x640xf32, #tpu.memory_space<vmem>>, vector<16xf32>,
        %mul3A_290 = arith.constant 16 : i32
        %mul3A_291 = arith.muli %mul3A_46, %mul3A_290 : i32
        %add3A_292 = arith.addi %mul3A_291, %scan3A_188 : i32
        %swap3A_293 = arith.index_cast %add3A_292 : i32 to index
        %swap3A_294 = arith.constant 272 : index
        %swap3A_295 = tpu.vector_load %arg9[%swap3A_293, %swap3A_294] {strides = array<i32>} : memref<64x640xf32, #tpu.memory_space<vmem>>, vector<16xf32>,
        tpu.vector_store %arg9[%swap3A_293, %swap3A_294], %broadcast_in_dim3A_3 {strides = array<i32>} : memref<64x640xf32, #tpu.memory_space<vmem>>, vector<16xf32>,
        %mul3A_296 = arith.constant 16 : i32
        %mul3A_297 = arith.muli %mul3A_46, %mul3A_296 : i32
        %add3A_298 = arith.addi %mul3A_297, %scan3A_188 : i32
        %swap3A_299 = arith.index_cast %add3A_298 : i32 to index
        %swap3A_300 = arith.constant 288 : index
        %swap3A_301 = tpu.vector_load %arg9[%swap3A_299, %swap3A_300] {strides = array<i32>} : memref<64x640xf32, #tpu.memory_space<vmem>>, vector<16xf32>,
        tpu.vector_store %arg9[%swap3A_299, %swap3A_300], %broadcast_in_dim3A_3 {strides = array<i32>} : memref<64x640xf32, #tpu.memory_space<vmem>>, vector<16xf32>,
        %mul3A_302 = arith.constant 16 : i32
        %mul3A_303 = arith.muli %mul3A_46, %mul3A_302 : i32
        %add3A_304 = arith.addi %mul3A_303, %scan3A_188 : i32
        %swap3A_305 = arith.index_cast %add3A_304 : i32 to index
        %swap3A_306 = arith.constant 304 : index
        %swap3A_307 = tpu.vector_load %arg9[%swap3A_305, %swap3A_306] {strides = array<i32>} : memref<64x640xf32, #tpu.memory_space<vmem>>, vector<16xf32>,
        tpu.vector_store %arg9[%swap3A_305, %swap3A_306], %broadcast_in_dim3A_3 {strides = array<i32>} : memref<64x640xf32, #tpu.memory_space<vmem>>, vector<16xf32>,
        %mul3A_308 = arith.constant 16 : i32
        %mul3A_309 = arith.muli %mul3A_46, %mul3A_308 : i32
        %add3A_310 = arith.addi %mul3A_309, %scan3A_188 : i32
        %swap3A_311 = arith.index_cast %add3A_310 : i32 to index
        %swap3A_312 = arith.constant 320 : index
        %swap3A_313 = tpu.vector_load %arg9[%swap3A_311, %swap3A_312] {strides = array<i32>} : memref<64x640xf32, #tpu.memory_space<vmem>>, vector<16xf32>,
        tpu.vector_store %arg9[%swap3A_311, %swap3A_312], %broadcast_in_dim3A_3 {strides = array<i32>} : memref<64x640xf32, #tpu.memory_space<vmem>>, vector<16xf32>,
        %mul3A_314 = arith.constant 16 : i32
        %mul3A_315 = arith.muli %mul3A_46, %mul3A_314 : i32
        %add3A_316 = arith.addi %mul3A_315, %scan3A_188 : i32
        %swap3A_317 = arith.index_cast %add3A_316 : i32 to index
        %swap3A_318 = arith.constant 336 : index
        %swap3A_319 = tpu.vector_load %arg9[%swap3A_317, %swap3A_318] {strides = array<i32>} : memref<64x640xf32, #tpu.memory_space<vmem>>, vector<16xf32>,
        tpu.vector_store %arg9[%swap3A_317, %swap3A_318], %broadcast_in_dim3A_3 {strides = array<i32>} : memref<64x640xf32, #tpu.memory_space<vmem>>, vector<16xf32>,
        %mul3A_320 = arith.constant 16 : i32
        %mul3A_321 = arith.muli %mul3A_46, %mul3A_320 : i32
        %add3A_322 = arith.addi %mul3A_321, %scan3A_188 : i32
        %swap3A_323 = arith.index_cast %add3A_322 : i32 to index
        %swap3A_324 = arith.constant 352 : index
        %swap3A_325 = tpu.vector_load %arg9[%swap3A_323, %swap3A_324] {strides = array<i32>} : memref<64x640xf32, #tpu.memory_space<vmem>>, vector<16xf32>,
        tpu.vector_store %arg9[%swap3A_323, %swap3A_324], %broadcast_in_dim3A_3 {strides = array<i32>} : memref<64x640xf32, #tpu.memory_space<vmem>>, vector<16xf32>,
        %mul3A_326 = arith.constant 16 : i32
        %mul3A_327 = arith.muli %mul3A_46, %mul3A_326 : i32
        %add3A_328 = arith.addi %mul3A_327, %scan3A_188 : i32
        %swap3A_329 = arith.index_cast %add3A_328 : i32 to index
        %swap3A_330 = arith.constant 368 : index
        %swap3A_331 = tpu.vector_load %arg9[%swap3A_329, %swap3A_330] {strides = array<i32>} : memref<64x640xf32, #tpu.memory_space<vmem>>, vector<16xf32>,
        tpu.vector_store %arg9[%swap3A_329, %swap3A_330], %broadcast_in_dim3A_3 {strides = array<i32>} : memref<64x640xf32, #tpu.memory_space<vmem>>, vector<16xf32>,
        %mul3A_332 = arith.constant 16 : i32
        %mul3A_333 = arith.muli %mul3A_46, %mul3A_332 : i32
        %add3A_334 = arith.addi %mul3A_333, %scan3A_188 : i32
        %swap3A_335 = arith.index_cast %add3A_334 : i32 to index
        %swap3A_336 = arith.constant 384 : index
        %swap3A_337 = tpu.vector_load %arg9[%swap3A_335, %swap3A_336] {strides = array<i32>} : memref<64x640xf32, #tpu.memory_space<vmem>>, vector<16xf32>,
        tpu.vector_store %arg9[%swap3A_335, %swap3A_336], %broadcast_in_dim3A_3 {strides = array<i32>} : memref<64x640xf32, #tpu.memory_space<vmem>>, vector<16xf32>,
        %mul3A_338 = arith.constant 16 : i32
        %mul3A_339 = arith.muli %mul3A_46, %mul3A_338 : i32
        %add3A_340 = arith.addi %mul3A_339, %scan3A_188 : i32
        %swap3A_341 = arith.index_cast %add3A_340 : i32 to index
        %swap3A_342 = arith.constant 400 : index
        %swap3A_343 = tpu.vector_load %arg9[%swap3A_341, %swap3A_342] {strides = array<i32>} : memref<64x640xf32, #tpu.memory_space<vmem>>, vector<16xf32>,
        tpu.vector_store %arg9[%swap3A_341, %swap3A_342], %broadcast_in_dim3A_3 {strides = array<i32>} : memref<64x640xf32, #tpu.memory_space<vmem>>, vector<16xf32>,
        %mul3A_344 = arith.constant 16 : i32
        %mul3A_345 = arith.muli %mul3A_46, %mul3A_344 : i32
        %add3A_346 = arith.addi %mul3A_345, %scan3A_188 : i32
        %swap3A_347 = arith.index_cast %add3A_346 : i32 to index
        %swap3A_348 = arith.constant 416 : index
        %swap3A_349 = tpu.vector_load %arg9[%swap3A_347, %swap3A_348] {strides = array<i32>} : memref<64x640xf32, #tpu.memory_space<vmem>>, vector<16xf32>,
        tpu.vector_store %arg9[%swap3A_347, %swap3A_348], %broadcast_in_dim3A_3 {strides = array<i32>} : memref<64x640xf32, #tpu.memory_space<vmem>>, vector<16xf32>,
        %mul3A_350 = arith.constant 16 : i32
        %mul3A_351 = arith.muli %mul3A_46, %mul3A_350 : i32
        %add3A_352 = arith.addi %mul3A_351, %scan3A_188 : i32
        %swap3A_353 = arith.index_cast %add3A_352 : i32 to index
        %swap3A_354 = arith.constant 432 : index
        %swap3A_355 = tpu.vector_load %arg9[%swap3A_353, %swap3A_354] {strides = array<i32>} : memref<64x640xf32, #tpu.memory_space<vmem>>, vector<16xf32>,
        tpu.vector_store %arg9[%swap3A_353, %swap3A_354], %broadcast_in_dim3A_3 {strides = array<i32>} : memref<64x640xf32, #tpu.memory_space<vmem>>, vector<16xf32>,
        %mul3A_356 = arith.constant 16 : i32
        %mul3A_357 = arith.muli %mul3A_46, %mul3A_356 : i32
        %add3A_358 = arith.addi %mul3A_357, %scan3A_188 : i32
        %swap3A_359 = arith.index_cast %add3A_358 : i32 to index
        %swap3A_360 = arith.constant 448 : index
        %swap3A_361 = tpu.vector_load %arg9[%swap3A_359, %swap3A_360] {strides = array<i32>} : memref<64x640xf32, #tpu.memory_space<vmem>>, vector<16xf32>,
        tpu.vector_store %arg9[%swap3A_359, %swap3A_360], %broadcast_in_dim3A_3 {strides = array<i32>} : memref<64x640xf32, #tpu.memory_space<vmem>>, vector<16xf32>,
        %mul3A_362 = arith.constant 16 : i32
        %mul3A_363 = arith.muli %mul3A_46, %mul3A_362 : i32
        %add3A_364 = arith.addi %mul3A_363, %scan3A_188 : i32
        %swap3A_365 = arith.index_cast %add3A_364 : i32 to index
        %swap3A_366 = arith.constant 464 : index
        %swap3A_367 = tpu.vector_load %arg9[%swap3A_365, %swap3A_366] {strides = array<i32>} : memref<64x640xf32, #tpu.memory_space<vmem>>, vector<16xf32>,
        tpu.vector_store %arg9[%swap3A_365, %swap3A_366], %broadcast_in_dim3A_3 {strides = array<i32>} : memref<64x640xf32, #tpu.memory_space<vmem>>, vector<16xf32>,
        %mul3A_368 = arith.constant 16 : i32
        %mul3A_369 = arith.muli %mul3A_46, %mul3A_368 : i32
        %add3A_370 = arith.addi %mul3A_369, %scan3A_188 : i32
        %swap3A_371 = arith.index_cast %add3A_370 : i32 to index
        %swap3A_372 = arith.constant 480 : index
        %swap3A_373 = tpu.vector_load %arg9[%swap3A_371, %swap3A_372] {strides = array<i32>} : memref<64x640xf32, #tpu.memory_space<vmem>>, vector<16xf32>,
        tpu.vector_store %arg9[%swap3A_371, %swap3A_372], %broadcast_in_dim3A_3 {strides = array<i32>} : memref<64x640xf32, #tpu.memory_space<vmem>>, vector<16xf32>,
        %mul3A_374 = arith.constant 16 : i32
        %mul3A_375 = arith.muli %mul3A_46, %mul3A_374 : i32
        %add3A_376 = arith.addi %mul3A_375, %scan3A_188 : i32
        %swap3A_377 = arith.index_cast %add3A_376 : i32 to index
        %swap3A_378 = arith.constant 496 : index
        %swap3A_379 = tpu.vector_load %arg9[%swap3A_377, %swap3A_378] {strides = array<i32>} : memref<64x640xf32, #tpu.memory_space<vmem>>, vector<16xf32>,
        tpu.vector_store %arg9[%swap3A_377, %swap3A_378], %broadcast_in_dim3A_3 {strides = array<i32>} : memref<64x640xf32, #tpu.memory_space<vmem>>, vector<16xf32>,
        %mul3A_380 = arith.constant 16 : i32
        %mul3A_381 = arith.muli %mul3A_46, %mul3A_380 : i32
        %add3A_382 = arith.addi %mul3A_381, %scan3A_188 : i32
        %swap3A_383 = arith.index_cast %add3A_382 : i32 to index
        %swap3A_384 = arith.constant 512 : index
        %swap3A_385 = tpu.vector_load %arg9[%swap3A_383, %swap3A_384] {strides = array<i32>} : memref<64x640xf32, #tpu.memory_space<vmem>>, vector<16xf32>,
        tpu.vector_store %arg9[%swap3A_383, %swap3A_384], %broadcast_in_dim3A_3 {strides = array<i32>} : memref<64x640xf32, #tpu.memory_space<vmem>>, vector<16xf32>,
        %mul3A_386 = arith.constant 16 : i32
        %mul3A_387 = arith.muli %mul3A_46, %mul3A_386 : i32
        %add3A_388 = arith.addi %mul3A_387, %scan3A_188 : i32
        %swap3A_389 = arith.index_cast %add3A_388 : i32 to index
        %swap3A_390 = arith.constant 528 : index
        %swap3A_391 = tpu.vector_load %arg9[%swap3A_389, %swap3A_390] {strides = array<i32>} : memref<64x640xf32, #tpu.memory_space<vmem>>, vector<16xf32>,
        tpu.vector_store %arg9[%swap3A_389, %swap3A_390], %broadcast_in_dim3A_3 {strides = array<i32>} : memref<64x640xf32, #tpu.memory_space<vmem>>, vector<16xf32>,
        %mul3A_392 = arith.constant 16 : i32
        %mul3A_393 = arith.muli %mul3A_46, %mul3A_392 : i32
        %add3A_394 = arith.addi %mul3A_393, %scan3A_188 : i32
        %swap3A_395 = arith.index_cast %add3A_394 : i32 to index
        %swap3A_396 = arith.constant 544 : index
        %swap3A_397 = tpu.vector_load %arg9[%swap3A_395, %swap3A_396] {strides = array<i32>} : memref<64x640xf32, #tpu.memory_space<vmem>>, vector<16xf32>,
        tpu.vector_store %arg9[%swap3A_395, %swap3A_396], %broadcast_in_dim3A_3 {strides = array<i32>} : memref<64x640xf32, #tpu.memory_space<vmem>>, vector<16xf32>,
        %mul3A_398 = arith.constant 16 : i32
        %mul3A_399 = arith.muli %mul3A_46, %mul3A_398 : i32
        %add3A_400 = arith.addi %mul3A_399, %scan3A_188 : i32
        %swap3A_401 = arith.index_cast %add3A_400 : i32 to index
        %swap3A_402 = arith.constant 560 : index
        %swap3A_403 = tpu.vector_load %arg9[%swap3A_401, %swap3A_402] {strides = array<i32>} : memref<64x640xf32, #tpu.memory_space<vmem>>, vector<16xf32>,
        tpu.vector_store %arg9[%swap3A_401, %swap3A_402], %broadcast_in_dim3A_3 {strides = array<i32>} : memref<64x640xf32, #tpu.memory_space<vmem>>, vector<16xf32>,
        %mul3A_404 = arith.constant 16 : i32
        %mul3A_405 = arith.muli %mul3A_46, %mul3A_404 : i32
        %add3A_406 = arith.addi %mul3A_405, %scan3A_188 : i32
        %swap3A_407 = arith.index_cast %add3A_406 : i32 to index
        %swap3A_408 = arith.constant 576 : index
        %swap3A_409 = tpu.vector_load %arg9[%swap3A_407, %swap3A_408] {strides = array<i32>} : memref<64x640xf32, #tpu.memory_space<vmem>>, vector<16xf32>,
        tpu.vector_store %arg9[%swap3A_407, %swap3A_408], %broadcast_in_dim3A_3 {strides = array<i32>} : memref<64x640xf32, #tpu.memory_space<vmem>>, vector<16xf32>,
        %mul3A_410 = arith.constant 16 : i32
        %mul3A_411 = arith.muli %mul3A_46, %mul3A_410 : i32
        %add3A_412 = arith.addi %mul3A_411, %scan3A_188 : i32
        %swap3A_413 = arith.index_cast %add3A_412 : i32 to index
        %swap3A_414 = arith.constant 592 : index
        %swap3A_415 = tpu.vector_load %arg9[%swap3A_413, %swap3A_414] {strides = array<i32>} : memref<64x640xf32, #tpu.memory_space<vmem>>, vector<16xf32>,
        tpu.vector_store %arg9[%swap3A_413, %swap3A_414], %broadcast_in_dim3A_3 {strides = array<i32>} : memref<64x640xf32, #tpu.memory_space<vmem>>, vector<16xf32>,
        %mul3A_416 = arith.constant 16 : i32
        %mul3A_417 = arith.muli %mul3A_46, %mul3A_416 : i32
        %add3A_418 = arith.addi %mul3A_417, %scan3A_188 : i32
        %swap3A_419 = arith.index_cast %add3A_418 : i32 to index
        %swap3A_420 = arith.constant 608 : index
        %swap3A_421 = tpu.vector_load %arg9[%swap3A_419, %swap3A_420] {strides = array<i32>} : memref<64x640xf32, #tpu.memory_space<vmem>>, vector<16xf32>,
        tpu.vector_store %arg9[%swap3A_419, %swap3A_420], %broadcast_in_dim3A_3 {strides = array<i32>} : memref<64x640xf32, #tpu.memory_space<vmem>>, vector<16xf32>,
        %mul3A_422 = arith.constant 16 : i32
        %mul3A_423 = arith.muli %mul3A_46, %mul3A_422 : i32
        %add3A_424 = arith.addi %mul3A_423, %scan3A_188 : i32
        %swap3A_425 = arith.index_cast %add3A_424 : i32 to index
        %swap3A_426 = arith.constant 624 : index
        %swap3A_427 = tpu.vector_load %arg9[%swap3A_425, %swap3A_426] {strides = array<i32>} : memref<64x640xf32, #tpu.memory_space<vmem>>, vector<16xf32>,
        tpu.vector_store %arg9[%swap3A_425, %swap3A_426], %broadcast_in_dim3A_3 {strides = array<i32>} : memref<64x640xf32, #tpu.memory_space<vmem>>, vector<16xf32>,
      }
      %scan3A_52 = arith.constant 16 : i32
      %mul3A_53 = arith.constant 16 : i32
      %mul3A_54 = arith.muli %mul3A_46, %mul3A_53 : i32
      %add3A_55 = arith.addi %mul3A_2, %mul3A_54 : i32
      %mul3A_56 = arith.constant 16 : i32
      %mul3A_57 = arith.muli %mul3A_46, %mul3A_56 : i32
      %dma_wait3A = arith.constant 0 : i32
      %dma_wait3A_58 = tpu.memref_slice %arg6[%mul3A_57, %dma_wait3A] : memref<64x640xf32, #tpu.memory_space<vmem>> -> memref<16x640xf32, #tpu.memory_space<vmem>>
      %dma_wait3A_59 = arith.constant 0 : i32
      %dma_wait3A_60 = tpu.memref_slice %arg2[%add3A_55, %dma_wait3A_59] : memref<2048x640xf32, #tpu.memory_space<hbm>> -> memref<16x640xf32, #tpu.memory_space<hbm>>
      %dma_wait3A_61 = arith.constant 0 : i32
      %dma_wait3A_62 = tpu.memref_slice %arg6[%mul3A_57, %dma_wait3A_61] : memref<64x640xf32, #tpu.memory_space<vmem>> -> memref<16x640xf32, #tpu.memory_space<vmem>>
      %dma_wait3A_63 = arith.constant 0 : i32
      %dma_wait3A_64 = tpu.memref_slice %arg2[%add3A_55, %dma_wait3A_63] : memref<2048x640xf32, #tpu.memory_space<hbm>> -> memref<16x640xf32, #tpu.memory_space<hbm>>
      tpu.wait_dma2 semaphore(%arg11 : memref<!tpu.dma_semaphore, #tpu.memory_space<semaphore_mem>>) src(%dma_wait3A_64 : memref<16x640xf32, #tpu.memory_space<hbm>>) dst(%dma_wait3A_62 : memref<16x640xf32, #tpu.memory_space<vmem>>)
      %mul3A_65 = arith.constant 16 : i32
      %mul3A_66 = arith.muli %mul3A_46, %mul3A_65 : i32
      %add3A_67 = vector.broadcast %mul3A_66 : i32 to vector<16xi32>
      %add3A_68 = arith.addi %add3A_67, %iota3A : vector<16xi32>
      %mul3A_69 = arith.constant 50 : i32
      %mul3A_70 = vector.broadcast %mul3A_69 : i32 to vector<16xi32>
      %mul3A_71 = arith.muli %add3A_68, %mul3A_70 : vector<16xi32>
      %scan3A_72 = arith.constant 0 : i32
      %scan3A_73 = arith.constant 50 : i32
      %scan3A_74 = arith.addi %scan3A_72, %scan3A_73 : i32
      %scan3A_75 = arith.constant 1 : i32
      %scan3A_76:2 = scf.for %scan3A_188 = %scan3A_72 to %scan3A_74 step %scan3A_75 iter_args(%scan3A_189 = %broadcast_in_dim3A_5, %scan3A_190 = %broadcast_in_dim3A_3) -> (vector<16xf32>, vector<16xf32>)  : i32 {
        %add3A_191 = vector.broadcast %scan3A_188 : i32 to vector<16xi32>
        %add3A_192 = arith.addi %mul3A_71, %add3A_191 : vector<16xi32>
        %gather3A = tpu.vector_load_idx %arg7[%add3A_192] : memref<3200xi32, #tpu.memory_space<vmem>>[vector<16xi32>], vector<16xi32>,
        %gather3A_193 = tpu.vector_load_idx %arg6[%add3A_68, %gather3A] : memref<64x640xf32, #tpu.memory_space<vmem>>[vector<16xi32>, vector<16xi32>], vector<16xf32>,
        %eq3A = arith.constant 600 : i32
        %eq3A_194 = vector.broadcast %eq3A : i32 to vector<16xi32>
        %eq3A_195 = arith.cmpi eq, %gather3A, %eq3A_194 : vector<16xi32>
        %select_n3A = arith.select %eq3A_195, %broadcast_in_dim3A_5, %gather3A_193 : vector<16xi1>, vector<16xf32>
        %mul3A_196 = arith.constant 16 : i32
        %mul3A_197 = arith.muli %scan3A_188, %mul3A_196 : i32
        %swap3A = arith.index_cast %mul3A_197 : i32 to index
        %swap3A_198 = tpu.vector_load %arg10[%swap3A] {strides = array<i32>} : memref<800xf32, #tpu.memory_space<vmem>>, vector<16xf32>,
        tpu.vector_store %arg10[%swap3A], %select_n3A {strides = array<i32>} : memref<800xf32, #tpu.memory_space<vmem>>, vector<16xf32>,
        %max3A = arith.maximumf %scan3A_189, %select_n3A : vector<16xf32>
        %sub3A = arith.subf %scan3A_189, %max3A : vector<16xf32>
        %exp3A = math.exp %sub3A : vector<16xf32>
        %mul3A_199 = arith.mulf %scan3A_190, %exp3A : vector<16xf32>
        %sub3A_200 = arith.subf %select_n3A, %max3A : vector<16xf32>
        %exp3A_201 = math.exp %sub3A_200 : vector<16xf32>
        %add3A_202 = arith.addf %mul3A_199, %exp3A_201 : vector<16xf32>
        scf.yield %max3A, %add3A_202 : vector<16xf32>, vector<16xf32>
      }
      %scan3A_77 = arith.constant 50 : i32
      %div3A = arith.divf %broadcast_in_dim3A_7, %scan3A_76#1 : vector<16xf32>
      %scan3A_78 = arith.constant 0 : i32
      %scan3A_79 = arith.constant 0 : i32
      %scan3A_80 = arith.constant 50 : i32
      %scan3A_81 = arith.addi %scan3A_79, %scan3A_80 : i32
      %scan3A_82 = arith.constant 1 : i32
      scf.for %scan3A_188 = %scan3A_79 to %scan3A_81 step %scan3A_82  : i32 {
        %mul3A_189 = arith.constant 16 : i32
        %mul3A_190 = arith.muli %scan3A_188, %mul3A_189 : i32
        %get3A = arith.index_cast %mul3A_190 : i32 to index
        %get3A_191 = tpu.vector_load %arg10[%get3A] {strides = array<i32>} : memref<800xf32, #tpu.memory_space<vmem>>, vector<16xf32>,
        %sub3A = arith.subf %get3A_191, %scan3A_76#0 : vector<16xf32>
        %exp3A = math.exp %sub3A : vector<16xf32>
        %mul3A_192 = arith.mulf %exp3A, %div3A : vector<16xf32>
        %add3A_193 = vector.broadcast %scan3A_188 : i32 to vector<16xi32>
        %add3A_194 = arith.addi %mul3A_71, %add3A_193 : vector<16xi32>
        %gather3A = tpu.vector_load_idx %arg7[%add3A_194] : memref<3200xi32, #tpu.memory_space<vmem>>[vector<16xi32>], vector<16xi32>,
        %add3A_195 = vector.broadcast %scan3A_188 : i32 to vector<16xi32>
        %add3A_196 = arith.addi %mul3A_71, %add3A_195 : vector<16xi32>
        tpu.vector_store_idx %arg8[%add3A_196], %mul3A_192 : memref<3200xf32, #tpu.memory_space<vmem>>[vector<16xi32>], vector<16xf32>,
        tpu.vector_store_idx %arg9[%add3A_68, %gather3A], %mul3A_192 {add = true} : memref<64x640xf32, #tpu.memory_space<vmem>>[vector<16xi32>, vector<16xi32>], vector<16xf32>,
      }
      %scan3A_83 = arith.constant 50 : i32
      %mul3A_84 = arith.constant 16 : i32
      %mul3A_85 = arith.muli %mul3A_46, %mul3A_84 : i32
      %mul3A_86 = arith.constant 16 : i32
      %mul3A_87 = arith.muli %mul3A_46, %mul3A_86 : i32
      %add3A_88 = arith.addi %mul3A_2, %mul3A_87 : i32
      %dma_start3A_89 = arith.constant 0 : i32
      %dma_start3A_90 = tpu.memref_slice %arg9[%mul3A_85, %dma_start3A_89] : memref<64x640xf32, #tpu.memory_space<vmem>> -> memref<16x640xf32, #tpu.memory_space<vmem>>
      %dma_start3A_91 = arith.constant 0 : i32
      %dma_start3A_92 = tpu.memref_slice %arg5[%add3A_88, %dma_start3A_91] : memref<2048x640xf32, #tpu.memory_space<hbm>> -> memref<16x640xf32, #tpu.memory_space<hbm>>
      %dma_start3A_93 = arith.constant 0 : i32
      %dma_start3A_94 = tpu.memref_slice %arg5[%add3A_88, %dma_start3A_93] : memref<2048x640xf32, #tpu.memory_space<hbm>> -> memref<16x640xf32, #tpu.memory_space<hbm>>
      %dma_start3A_95 = arith.constant 0 : i32
      %dma_start3A_96 = tpu.memref_slice %arg9[%mul3A_85, %dma_start3A_95] : memref<64x640xf32, #tpu.memory_space<vmem>> -> memref<16x640xf32, #tpu.memory_space<vmem>>
      tpu.enqueue_dma source(%dma_start3A_96 : memref<16x640xf32, #tpu.memory_space<vmem>>) target(%dma_start3A_94 : memref<16x640xf32, #tpu.memory_space<hbm>>) target_semaphore(%arg13 : memref<!tpu.dma_semaphore, #tpu.memory_space<semaphore_mem>>)
      %mul3A_97 = arith.constant 16 : i32
      %mul3A_98 = arith.muli %mul3A_46, %mul3A_97 : i32
      %mul3A_99 = arith.constant 50 : i32
      %mul3A_100 = arith.muli %mul3A_98, %mul3A_99 : i32
      %mul3A_101 = arith.constant 16 : i32
      %mul3A_102 = arith.muli %mul3A_46, %mul3A_101 : i32
      %add3A_103 = arith.addi %mul3A_2, %mul3A_102 : i32
      %mul3A_104 = arith.constant 50 : i32
      %mul3A_105 = arith.muli %add3A_103, %mul3A_104 : i32
      %dma_start3A_106 = tpu.memref_slice %arg8[%mul3A_100] : memref<3200xf32, #tpu.memory_space<vmem>> -> memref<800xf32, #tpu.memory_space<vmem>>
      %dma_start3A_107 = tpu.memref_slice %arg4[%mul3A_105] : memref<102400xf32, #tpu.memory_space<hbm>> -> memref<800xf32, #tpu.memory_space<hbm>>
      %dma_start3A_108 = tpu.memref_slice %arg4[%mul3A_105] : memref<102400xf32, #tpu.memory_space<hbm>> -> memref<800xf32, #tpu.memory_space<hbm>>
      %dma_start3A_109 = tpu.memref_slice %arg8[%mul3A_100] : memref<3200xf32, #tpu.memory_space<vmem>> -> memref<800xf32, #tpu.memory_space<vmem>>
      tpu.enqueue_dma source(%dma_start3A_109 : memref<800xf32, #tpu.memory_space<vmem>>) target(%dma_start3A_108 : memref<800xf32, #tpu.memory_space<hbm>>) target_semaphore(%arg14 : memref<!tpu.dma_semaphore, #tpu.memory_space<semaphore_mem>>)
      %add3A_110 = arith.constant 1 : i32
      %add3A_111 = arith.addi %scan3A_44, %add3A_110 : i32
      %lt3A = arith.constant 2 : i32
      %lt3A_112 = arith.cmpi slt, %add3A_111, %lt3A : i32
      %convert_element_type3A = arith.extui %lt3A_112 : i1 to i32
      %cond3A = arith.constant 0 : i32
      %cond3A_113 = arith.cmpi ne, %convert_element_type3A, %cond3A : i32
      scf.if %cond3A_113 {
        %add3A_188 = arith.constant 2 : i32
        %add3A_189 = arith.addi %mul3A_46, %add3A_188 : i32
        %mul3A_190 = arith.constant 16 : i32
        %mul3A_191 = arith.muli %add3A_189, %mul3A_190 : i32
        %add3A_192 = arith.addi %mul3A_2, %mul3A_191 : i32
        %mul3A_193 = arith.constant 16 : i32
        %mul3A_194 = arith.muli %add3A_189, %mul3A_193 : i32
        %dma_start3A_195 = arith.constant 0 : i32
        %dma_start3A_196 = tpu.memref_slice %arg6[%mul3A_194, %dma_start3A_195] : memref<64x640xf32, #tpu.memory_space<vmem>> -> memref<16x640xf32, #tpu.memory_space<vmem>>
        %dma_start3A_197 = arith.constant 0 : i32
        %dma_start3A_198 = tpu.memref_slice %arg2[%add3A_192, %dma_start3A_197] : memref<2048x640xf32, #tpu.memory_space<hbm>> -> memref<16x640xf32, #tpu.memory_space<hbm>>
        %dma_start3A_199 = arith.constant 0 : i32
        %dma_start3A_200 = tpu.memref_slice %arg6[%mul3A_194, %dma_start3A_199] : memref<64x640xf32, #tpu.memory_space<vmem>> -> memref<16x640xf32, #tpu.memory_space<vmem>>
        %dma_start3A_201 = arith.constant 0 : i32
        %dma_start3A_202 = tpu.memref_slice %arg2[%add3A_192, %dma_start3A_201] : memref<2048x640xf32, #tpu.memory_space<hbm>> -> memref<16x640xf32, #tpu.memory_space<hbm>>
        tpu.enqueue_dma source(%dma_start3A_202 : memref<16x640xf32, #tpu.memory_space<hbm>>) target(%dma_start3A_200 : memref<16x640xf32, #tpu.memory_space<vmem>>) target_semaphore(%arg11 : memref<!tpu.dma_semaphore, #tpu.memory_space<semaphore_mem>>)
      } else {
      }
      %add3A_114 = arith.constant 1 : i32
      %add3A_115 = arith.addi %mul3A_46, %add3A_114 : i32
      %scan3A_116 = arith.constant 0 : i32
      %scan3A_117 = arith.constant 0 : i32
      %scan3A_118 = arith.constant 16 : i32
      %scan3A_119 = arith.addi %scan3A_117, %scan3A_118 : i32
      %scan3A_120 = arith.constant 1 : i32
      scf.for %scan3A_188 = %scan3A_117 to %scan3A_119 step %scan3A_120  : i32 {
        %mul3A_189 = arith.constant 16 : i32
        %mul3A_190 = arith.muli %add3A_115, %mul3A_189 : i32
        %add3A_191 = arith.addi %mul3A_190, %scan3A_188 : i32
        %swap3A = arith.index_cast %add3A_191 : i32 to index
        %swap3A_192 = arith.constant 0 : index
        %swap3A_193 = tpu.vector_load %arg9[%swap3A, %swap3A_192] {strides = array<i32>} : memref<64x640xf32, #tpu.memory_space<vmem>>, vector<16xf32>,
        tpu.vector_store %arg9[%swap3A, %swap3A_192], %broadcast_in_dim3A_3 {strides = array<i32>} : memref<64x640xf32, #tpu.memory_space<vmem>>, vector<16xf32>,
        %mul3A_194 = arith.constant 16 : i32
        %mul3A_195 = arith.muli %add3A_115, %mul3A_194 : i32
        %add3A_196 = arith.addi %mul3A_195, %scan3A_188 : i32
        %swap3A_197 = arith.index_cast %add3A_196 : i32 to index
        %swap3A_198 = arith.constant 16 : index
        %swap3A_199 = tpu.vector_load %arg9[%swap3A_197, %swap3A_198] {strides = array<i32>} : memref<64x640xf32, #tpu.memory_space<vmem>>, vector<16xf32>,
        tpu.vector_store %arg9[%swap3A_197, %swap3A_198], %broadcast_in_dim3A_3 {strides = array<i32>} : memref<64x640xf32, #tpu.memory_space<vmem>>, vector<16xf32>,
        %mul3A_200 = arith.constant 16 : i32
        %mul3A_201 = arith.muli %add3A_115, %mul3A_200 : i32
        %add3A_202 = arith.addi %mul3A_201, %scan3A_188 : i32
        %swap3A_203 = arith.index_cast %add3A_202 : i32 to index
        %swap3A_204 = arith.constant 32 : index
        %swap3A_205 = tpu.vector_load %arg9[%swap3A_203, %swap3A_204] {strides = array<i32>} : memref<64x640xf32, #tpu.memory_space<vmem>>, vector<16xf32>,
        tpu.vector_store %arg9[%swap3A_203, %swap3A_204], %broadcast_in_dim3A_3 {strides = array<i32>} : memref<64x640xf32, #tpu.memory_space<vmem>>, vector<16xf32>,
        %mul3A_206 = arith.constant 16 : i32
        %mul3A_207 = arith.muli %add3A_115, %mul3A_206 : i32
        %add3A_208 = arith.addi %mul3A_207, %scan3A_188 : i32
        %swap3A_209 = arith.index_cast %add3A_208 : i32 to index
        %swap3A_210 = arith.constant 48 : index
        %swap3A_211 = tpu.vector_load %arg9[%swap3A_209, %swap3A_210] {strides = array<i32>} : memref<64x640xf32, #tpu.memory_space<vmem>>, vector<16xf32>,
        tpu.vector_store %arg9[%swap3A_209, %swap3A_210], %broadcast_in_dim3A_3 {strides = array<i32>} : memref<64x640xf32, #tpu.memory_space<vmem>>, vector<16xf32>,
        %mul3A_212 = arith.constant 16 : i32
        %mul3A_213 = arith.muli %add3A_115, %mul3A_212 : i32
        %add3A_214 = arith.addi %mul3A_213, %scan3A_188 : i32
        %swap3A_215 = arith.index_cast %add3A_214 : i32 to index
        %swap3A_216 = arith.constant 64 : index
        %swap3A_217 = tpu.vector_load %arg9[%swap3A_215, %swap3A_216] {strides = array<i32>} : memref<64x640xf32, #tpu.memory_space<vmem>>, vector<16xf32>,
        tpu.vector_store %arg9[%swap3A_215, %swap3A_216], %broadcast_in_dim3A_3 {strides = array<i32>} : memref<64x640xf32, #tpu.memory_space<vmem>>, vector<16xf32>,
        %mul3A_218 = arith.constant 16 : i32
        %mul3A_219 = arith.muli %add3A_115, %mul3A_218 : i32
        %add3A_220 = arith.addi %mul3A_219, %scan3A_188 : i32
        %swap3A_221 = arith.index_cast %add3A_220 : i32 to index
        %swap3A_222 = arith.constant 80 : index
        %swap3A_223 = tpu.vector_load %arg9[%swap3A_221, %swap3A_222] {strides = array<i32>} : memref<64x640xf32, #tpu.memory_space<vmem>>, vector<16xf32>,
        tpu.vector_store %arg9[%swap3A_221, %swap3A_222], %broadcast_in_dim3A_3 {strides = array<i32>} : memref<64x640xf32, #tpu.memory_space<vmem>>, vector<16xf32>,
        %mul3A_224 = arith.constant 16 : i32
        %mul3A_225 = arith.muli %add3A_115, %mul3A_224 : i32
        %add3A_226 = arith.addi %mul3A_225, %scan3A_188 : i32
        %swap3A_227 = arith.index_cast %add3A_226 : i32 to index
        %swap3A_228 = arith.constant 96 : index
        %swap3A_229 = tpu.vector_load %arg9[%swap3A_227, %swap3A_228] {strides = array<i32>} : memref<64x640xf32, #tpu.memory_space<vmem>>, vector<16xf32>,
        tpu.vector_store %arg9[%swap3A_227, %swap3A_228], %broadcast_in_dim3A_3 {strides = array<i32>} : memref<64x640xf32, #tpu.memory_space<vmem>>, vector<16xf32>,
        %mul3A_230 = arith.constant 16 : i32
        %mul3A_231 = arith.muli %add3A_115, %mul3A_230 : i32
        %add3A_232 = arith.addi %mul3A_231, %scan3A_188 : i32
        %swap3A_233 = arith.index_cast %add3A_232 : i32 to index
        %swap3A_234 = arith.constant 112 : index
        %swap3A_235 = tpu.vector_load %arg9[%swap3A_233, %swap3A_234] {strides = array<i32>} : memref<64x640xf32, #tpu.memory_space<vmem>>, vector<16xf32>,
        tpu.vector_store %arg9[%swap3A_233, %swap3A_234], %broadcast_in_dim3A_3 {strides = array<i32>} : memref<64x640xf32, #tpu.memory_space<vmem>>, vector<16xf32>,
        %mul3A_236 = arith.constant 16 : i32
        %mul3A_237 = arith.muli %add3A_115, %mul3A_236 : i32
        %add3A_238 = arith.addi %mul3A_237, %scan3A_188 : i32
        %swap3A_239 = arith.index_cast %add3A_238 : i32 to index
        %swap3A_240 = arith.constant 128 : index
        %swap3A_241 = tpu.vector_load %arg9[%swap3A_239, %swap3A_240] {strides = array<i32>} : memref<64x640xf32, #tpu.memory_space<vmem>>, vector<16xf32>,
        tpu.vector_store %arg9[%swap3A_239, %swap3A_240], %broadcast_in_dim3A_3 {strides = array<i32>} : memref<64x640xf32, #tpu.memory_space<vmem>>, vector<16xf32>,
        %mul3A_242 = arith.constant 16 : i32
        %mul3A_243 = arith.muli %add3A_115, %mul3A_242 : i32
        %add3A_244 = arith.addi %mul3A_243, %scan3A_188 : i32
        %swap3A_245 = arith.index_cast %add3A_244 : i32 to index
        %swap3A_246 = arith.constant 144 : index
        %swap3A_247 = tpu.vector_load %arg9[%swap3A_245, %swap3A_246] {strides = array<i32>} : memref<64x640xf32, #tpu.memory_space<vmem>>, vector<16xf32>,
        tpu.vector_store %arg9[%swap3A_245, %swap3A_246], %broadcast_in_dim3A_3 {strides = array<i32>} : memref<64x640xf32, #tpu.memory_space<vmem>>, vector<16xf32>,
        %mul3A_248 = arith.constant 16 : i32
        %mul3A_249 = arith.muli %add3A_115, %mul3A_248 : i32
        %add3A_250 = arith.addi %mul3A_249, %scan3A_188 : i32
        %swap3A_251 = arith.index_cast %add3A_250 : i32 to index
        %swap3A_252 = arith.constant 160 : index
        %swap3A_253 = tpu.vector_load %arg9[%swap3A_251, %swap3A_252] {strides = array<i32>} : memref<64x640xf32, #tpu.memory_space<vmem>>, vector<16xf32>,
        tpu.vector_store %arg9[%swap3A_251, %swap3A_252], %broadcast_in_dim3A_3 {strides = array<i32>} : memref<64x640xf32, #tpu.memory_space<vmem>>, vector<16xf32>,
        %mul3A_254 = arith.constant 16 : i32
        %mul3A_255 = arith.muli %add3A_115, %mul3A_254 : i32
        %add3A_256 = arith.addi %mul3A_255, %scan3A_188 : i32
        %swap3A_257 = arith.index_cast %add3A_256 : i32 to index
        %swap3A_258 = arith.constant 176 : index
        %swap3A_259 = tpu.vector_load %arg9[%swap3A_257, %swap3A_258] {strides = array<i32>} : memref<64x640xf32, #tpu.memory_space<vmem>>, vector<16xf32>,
        tpu.vector_store %arg9[%swap3A_257, %swap3A_258], %broadcast_in_dim3A_3 {strides = array<i32>} : memref<64x640xf32, #tpu.memory_space<vmem>>, vector<16xf32>,
        %mul3A_260 = arith.constant 16 : i32
        %mul3A_261 = arith.muli %add3A_115, %mul3A_260 : i32
        %add3A_262 = arith.addi %mul3A_261, %scan3A_188 : i32
        %swap3A_263 = arith.index_cast %add3A_262 : i32 to index
        %swap3A_264 = arith.constant 192 : index
        %swap3A_265 = tpu.vector_load %arg9[%swap3A_263, %swap3A_264] {strides = array<i32>} : memref<64x640xf32, #tpu.memory_space<vmem>>, vector<16xf32>,
        tpu.vector_store %arg9[%swap3A_263, %swap3A_264], %broadcast_in_dim3A_3 {strides = array<i32>} : memref<64x640xf32, #tpu.memory_space<vmem>>, vector<16xf32>,
        %mul3A_266 = arith.constant 16 : i32
        %mul3A_267 = arith.muli %add3A_115, %mul3A_266 : i32
        %add3A_268 = arith.addi %mul3A_267, %scan3A_188 : i32
        %swap3A_269 = arith.index_cast %add3A_268 : i32 to index
        %swap3A_270 = arith.constant 208 : index
        %swap3A_271 = tpu.vector_load %arg9[%swap3A_269, %swap3A_270] {strides = array<i32>} : memref<64x640xf32, #tpu.memory_space<vmem>>, vector<16xf32>,
        tpu.vector_store %arg9[%swap3A_269, %swap3A_270], %broadcast_in_dim3A_3 {strides = array<i32>} : memref<64x640xf32, #tpu.memory_space<vmem>>, vector<16xf32>,
        %mul3A_272 = arith.constant 16 : i32
        %mul3A_273 = arith.muli %add3A_115, %mul3A_272 : i32
        %add3A_274 = arith.addi %mul3A_273, %scan3A_188 : i32
        %swap3A_275 = arith.index_cast %add3A_274 : i32 to index
        %swap3A_276 = arith.constant 224 : index
        %swap3A_277 = tpu.vector_load %arg9[%swap3A_275, %swap3A_276] {strides = array<i32>} : memref<64x640xf32, #tpu.memory_space<vmem>>, vector<16xf32>,
        tpu.vector_store %arg9[%swap3A_275, %swap3A_276], %broadcast_in_dim3A_3 {strides = array<i32>} : memref<64x640xf32, #tpu.memory_space<vmem>>, vector<16xf32>,
        %mul3A_278 = arith.constant 16 : i32
        %mul3A_279 = arith.muli %add3A_115, %mul3A_278 : i32
        %add3A_280 = arith.addi %mul3A_279, %scan3A_188 : i32
        %swap3A_281 = arith.index_cast %add3A_280 : i32 to index
        %swap3A_282 = arith.constant 240 : index
        %swap3A_283 = tpu.vector_load %arg9[%swap3A_281, %swap3A_282] {strides = array<i32>} : memref<64x640xf32, #tpu.memory_space<vmem>>, vector<16xf32>,
        tpu.vector_store %arg9[%swap3A_281, %swap3A_282], %broadcast_in_dim3A_3 {strides = array<i32>} : memref<64x640xf32, #tpu.memory_space<vmem>>, vector<16xf32>,
        %mul3A_284 = arith.constant 16 : i32
        %mul3A_285 = arith.muli %add3A_115, %mul3A_284 : i32
        %add3A_286 = arith.addi %mul3A_285, %scan3A_188 : i32
        %swap3A_287 = arith.index_cast %add3A_286 : i32 to index
        %swap3A_288 = arith.constant 256 : index
        %swap3A_289 = tpu.vector_load %arg9[%swap3A_287, %swap3A_288] {strides = array<i32>} : memref<64x640xf32, #tpu.memory_space<vmem>>, vector<16xf32>,
        tpu.vector_store %arg9[%swap3A_287, %swap3A_288], %broadcast_in_dim3A_3 {strides = array<i32>} : memref<64x640xf32, #tpu.memory_space<vmem>>, vector<16xf32>,
        %mul3A_290 = arith.constant 16 : i32
        %mul3A_291 = arith.muli %add3A_115, %mul3A_290 : i32
        %add3A_292 = arith.addi %mul3A_291, %scan3A_188 : i32
        %swap3A_293 = arith.index_cast %add3A_292 : i32 to index
        %swap3A_294 = arith.constant 272 : index
        %swap3A_295 = tpu.vector_load %arg9[%swap3A_293, %swap3A_294] {strides = array<i32>} : memref<64x640xf32, #tpu.memory_space<vmem>>, vector<16xf32>,
        tpu.vector_store %arg9[%swap3A_293, %swap3A_294], %broadcast_in_dim3A_3 {strides = array<i32>} : memref<64x640xf32, #tpu.memory_space<vmem>>, vector<16xf32>,
        %mul3A_296 = arith.constant 16 : i32
        %mul3A_297 = arith.muli %add3A_115, %mul3A_296 : i32
        %add3A_298 = arith.addi %mul3A_297, %scan3A_188 : i32
        %swap3A_299 = arith.index_cast %add3A_298 : i32 to index
        %swap3A_300 = arith.constant 288 : index
        %swap3A_301 = tpu.vector_load %arg9[%swap3A_299, %swap3A_300] {strides = array<i32>} : memref<64x640xf32, #tpu.memory_space<vmem>>, vector<16xf32>,
        tpu.vector_store %arg9[%swap3A_299, %swap3A_300], %broadcast_in_dim3A_3 {strides = array<i32>} : memref<64x640xf32, #tpu.memory_space<vmem>>, vector<16xf32>,
        %mul3A_302 = arith.constant 16 : i32
        %mul3A_303 = arith.muli %add3A_115, %mul3A_302 : i32
        %add3A_304 = arith.addi %mul3A_303, %scan3A_188 : i32
        %swap3A_305 = arith.index_cast %add3A_304 : i32 to index
        %swap3A_306 = arith.constant 304 : index
        %swap3A_307 = tpu.vector_load %arg9[%swap3A_305, %swap3A_306] {strides = array<i32>} : memref<64x640xf32, #tpu.memory_space<vmem>>, vector<16xf32>,
        tpu.vector_store %arg9[%swap3A_305, %swap3A_306], %broadcast_in_dim3A_3 {strides = array<i32>} : memref<64x640xf32, #tpu.memory_space<vmem>>, vector<16xf32>,
        %mul3A_308 = arith.constant 16 : i32
        %mul3A_309 = arith.muli %add3A_115, %mul3A_308 : i32
        %add3A_310 = arith.addi %mul3A_309, %scan3A_188 : i32
        %swap3A_311 = arith.index_cast %add3A_310 : i32 to index
        %swap3A_312 = arith.constant 320 : index
        %swap3A_313 = tpu.vector_load %arg9[%swap3A_311, %swap3A_312] {strides = array<i32>} : memref<64x640xf32, #tpu.memory_space<vmem>>, vector<16xf32>,
        tpu.vector_store %arg9[%swap3A_311, %swap3A_312], %broadcast_in_dim3A_3 {strides = array<i32>} : memref<64x640xf32, #tpu.memory_space<vmem>>, vector<16xf32>,
        %mul3A_314 = arith.constant 16 : i32
        %mul3A_315 = arith.muli %add3A_115, %mul3A_314 : i32
        %add3A_316 = arith.addi %mul3A_315, %scan3A_188 : i32
        %swap3A_317 = arith.index_cast %add3A_316 : i32 to index
        %swap3A_318 = arith.constant 336 : index
        %swap3A_319 = tpu.vector_load %arg9[%swap3A_317, %swap3A_318] {strides = array<i32>} : memref<64x640xf32, #tpu.memory_space<vmem>>, vector<16xf32>,
        tpu.vector_store %arg9[%swap3A_317, %swap3A_318], %broadcast_in_dim3A_3 {strides = array<i32>} : memref<64x640xf32, #tpu.memory_space<vmem>>, vector<16xf32>,
        %mul3A_320 = arith.constant 16 : i32
        %mul3A_321 = arith.muli %add3A_115, %mul3A_320 : i32
        %add3A_322 = arith.addi %mul3A_321, %scan3A_188 : i32
        %swap3A_323 = arith.index_cast %add3A_322 : i32 to index
        %swap3A_324 = arith.constant 352 : index
        %swap3A_325 = tpu.vector_load %arg9[%swap3A_323, %swap3A_324] {strides = array<i32>} : memref<64x640xf32, #tpu.memory_space<vmem>>, vector<16xf32>,
        tpu.vector_store %arg9[%swap3A_323, %swap3A_324], %broadcast_in_dim3A_3 {strides = array<i32>} : memref<64x640xf32, #tpu.memory_space<vmem>>, vector<16xf32>,
        %mul3A_326 = arith.constant 16 : i32
        %mul3A_327 = arith.muli %add3A_115, %mul3A_326 : i32
        %add3A_328 = arith.addi %mul3A_327, %scan3A_188 : i32
        %swap3A_329 = arith.index_cast %add3A_328 : i32 to index
        %swap3A_330 = arith.constant 368 : index
        %swap3A_331 = tpu.vector_load %arg9[%swap3A_329, %swap3A_330] {strides = array<i32>} : memref<64x640xf32, #tpu.memory_space<vmem>>, vector<16xf32>,
        tpu.vector_store %arg9[%swap3A_329, %swap3A_330], %broadcast_in_dim3A_3 {strides = array<i32>} : memref<64x640xf32, #tpu.memory_space<vmem>>, vector<16xf32>,
        %mul3A_332 = arith.constant 16 : i32
        %mul3A_333 = arith.muli %add3A_115, %mul3A_332 : i32
        %add3A_334 = arith.addi %mul3A_333, %scan3A_188 : i32
        %swap3A_335 = arith.index_cast %add3A_334 : i32 to index
        %swap3A_336 = arith.constant 384 : index
        %swap3A_337 = tpu.vector_load %arg9[%swap3A_335, %swap3A_336] {strides = array<i32>} : memref<64x640xf32, #tpu.memory_space<vmem>>, vector<16xf32>,
        tpu.vector_store %arg9[%swap3A_335, %swap3A_336], %broadcast_in_dim3A_3 {strides = array<i32>} : memref<64x640xf32, #tpu.memory_space<vmem>>, vector<16xf32>,
        %mul3A_338 = arith.constant 16 : i32
        %mul3A_339 = arith.muli %add3A_115, %mul3A_338 : i32
        %add3A_340 = arith.addi %mul3A_339, %scan3A_188 : i32
        %swap3A_341 = arith.index_cast %add3A_340 : i32 to index
        %swap3A_342 = arith.constant 400 : index
        %swap3A_343 = tpu.vector_load %arg9[%swap3A_341, %swap3A_342] {strides = array<i32>} : memref<64x640xf32, #tpu.memory_space<vmem>>, vector<16xf32>,
        tpu.vector_store %arg9[%swap3A_341, %swap3A_342], %broadcast_in_dim3A_3 {strides = array<i32>} : memref<64x640xf32, #tpu.memory_space<vmem>>, vector<16xf32>,
        %mul3A_344 = arith.constant 16 : i32
        %mul3A_345 = arith.muli %add3A_115, %mul3A_344 : i32
        %add3A_346 = arith.addi %mul3A_345, %scan3A_188 : i32
        %swap3A_347 = arith.index_cast %add3A_346 : i32 to index
        %swap3A_348 = arith.constant 416 : index
        %swap3A_349 = tpu.vector_load %arg9[%swap3A_347, %swap3A_348] {strides = array<i32>} : memref<64x640xf32, #tpu.memory_space<vmem>>, vector<16xf32>,
        tpu.vector_store %arg9[%swap3A_347, %swap3A_348], %broadcast_in_dim3A_3 {strides = array<i32>} : memref<64x640xf32, #tpu.memory_space<vmem>>, vector<16xf32>,
        %mul3A_350 = arith.constant 16 : i32
        %mul3A_351 = arith.muli %add3A_115, %mul3A_350 : i32
        %add3A_352 = arith.addi %mul3A_351, %scan3A_188 : i32
        %swap3A_353 = arith.index_cast %add3A_352 : i32 to index
        %swap3A_354 = arith.constant 432 : index
        %swap3A_355 = tpu.vector_load %arg9[%swap3A_353, %swap3A_354] {strides = array<i32>} : memref<64x640xf32, #tpu.memory_space<vmem>>, vector<16xf32>,
        tpu.vector_store %arg9[%swap3A_353, %swap3A_354], %broadcast_in_dim3A_3 {strides = array<i32>} : memref<64x640xf32, #tpu.memory_space<vmem>>, vector<16xf32>,
        %mul3A_356 = arith.constant 16 : i32
        %mul3A_357 = arith.muli %add3A_115, %mul3A_356 : i32
        %add3A_358 = arith.addi %mul3A_357, %scan3A_188 : i32
        %swap3A_359 = arith.index_cast %add3A_358 : i32 to index
        %swap3A_360 = arith.constant 448 : index
        %swap3A_361 = tpu.vector_load %arg9[%swap3A_359, %swap3A_360] {strides = array<i32>} : memref<64x640xf32, #tpu.memory_space<vmem>>, vector<16xf32>,
        tpu.vector_store %arg9[%swap3A_359, %swap3A_360], %broadcast_in_dim3A_3 {strides = array<i32>} : memref<64x640xf32, #tpu.memory_space<vmem>>, vector<16xf32>,
        %mul3A_362 = arith.constant 16 : i32
        %mul3A_363 = arith.muli %add3A_115, %mul3A_362 : i32
        %add3A_364 = arith.addi %mul3A_363, %scan3A_188 : i32
        %swap3A_365 = arith.index_cast %add3A_364 : i32 to index
        %swap3A_366 = arith.constant 464 : index
        %swap3A_367 = tpu.vector_load %arg9[%swap3A_365, %swap3A_366] {strides = array<i32>} : memref<64x640xf32, #tpu.memory_space<vmem>>, vector<16xf32>,
        tpu.vector_store %arg9[%swap3A_365, %swap3A_366], %broadcast_in_dim3A_3 {strides = array<i32>} : memref<64x640xf32, #tpu.memory_space<vmem>>, vector<16xf32>,
        %mul3A_368 = arith.constant 16 : i32
        %mul3A_369 = arith.muli %add3A_115, %mul3A_368 : i32
        %add3A_370 = arith.addi %mul3A_369, %scan3A_188 : i32
        %swap3A_371 = arith.index_cast %add3A_370 : i32 to index
        %swap3A_372 = arith.constant 480 : index
        %swap3A_373 = tpu.vector_load %arg9[%swap3A_371, %swap3A_372] {strides = array<i32>} : memref<64x640xf32, #tpu.memory_space<vmem>>, vector<16xf32>,
        tpu.vector_store %arg9[%swap3A_371, %swap3A_372], %broadcast_in_dim3A_3 {strides = array<i32>} : memref<64x640xf32, #tpu.memory_space<vmem>>, vector<16xf32>,
        %mul3A_374 = arith.constant 16 : i32
        %mul3A_375 = arith.muli %add3A_115, %mul3A_374 : i32
        %add3A_376 = arith.addi %mul3A_375, %scan3A_188 : i32
        %swap3A_377 = arith.index_cast %add3A_376 : i32 to index
        %swap3A_378 = arith.constant 496 : index
        %swap3A_379 = tpu.vector_load %arg9[%swap3A_377, %swap3A_378] {strides = array<i32>} : memref<64x640xf32, #tpu.memory_space<vmem>>, vector<16xf32>,
        tpu.vector_store %arg9[%swap3A_377, %swap3A_378], %broadcast_in_dim3A_3 {strides = array<i32>} : memref<64x640xf32, #tpu.memory_space<vmem>>, vector<16xf32>,
        %mul3A_380 = arith.constant 16 : i32
        %mul3A_381 = arith.muli %add3A_115, %mul3A_380 : i32
        %add3A_382 = arith.addi %mul3A_381, %scan3A_188 : i32
        %swap3A_383 = arith.index_cast %add3A_382 : i32 to index
        %swap3A_384 = arith.constant 512 : index
        %swap3A_385 = tpu.vector_load %arg9[%swap3A_383, %swap3A_384] {strides = array<i32>} : memref<64x640xf32, #tpu.memory_space<vmem>>, vector<16xf32>,
        tpu.vector_store %arg9[%swap3A_383, %swap3A_384], %broadcast_in_dim3A_3 {strides = array<i32>} : memref<64x640xf32, #tpu.memory_space<vmem>>, vector<16xf32>,
        %mul3A_386 = arith.constant 16 : i32
        %mul3A_387 = arith.muli %add3A_115, %mul3A_386 : i32
        %add3A_388 = arith.addi %mul3A_387, %scan3A_188 : i32
        %swap3A_389 = arith.index_cast %add3A_388 : i32 to index
        %swap3A_390 = arith.constant 528 : index
        %swap3A_391 = tpu.vector_load %arg9[%swap3A_389, %swap3A_390] {strides = array<i32>} : memref<64x640xf32, #tpu.memory_space<vmem>>, vector<16xf32>,
        tpu.vector_store %arg9[%swap3A_389, %swap3A_390], %broadcast_in_dim3A_3 {strides = array<i32>} : memref<64x640xf32, #tpu.memory_space<vmem>>, vector<16xf32>,
        %mul3A_392 = arith.constant 16 : i32
        %mul3A_393 = arith.muli %add3A_115, %mul3A_392 : i32
        %add3A_394 = arith.addi %mul3A_393, %scan3A_188 : i32
        %swap3A_395 = arith.index_cast %add3A_394 : i32 to index
        %swap3A_396 = arith.constant 544 : index
        %swap3A_397 = tpu.vector_load %arg9[%swap3A_395, %swap3A_396] {strides = array<i32>} : memref<64x640xf32, #tpu.memory_space<vmem>>, vector<16xf32>,
        tpu.vector_store %arg9[%swap3A_395, %swap3A_396], %broadcast_in_dim3A_3 {strides = array<i32>} : memref<64x640xf32, #tpu.memory_space<vmem>>, vector<16xf32>,
        %mul3A_398 = arith.constant 16 : i32
        %mul3A_399 = arith.muli %add3A_115, %mul3A_398 : i32
        %add3A_400 = arith.addi %mul3A_399, %scan3A_188 : i32
        %swap3A_401 = arith.index_cast %add3A_400 : i32 to index
        %swap3A_402 = arith.constant 560 : index
        %swap3A_403 = tpu.vector_load %arg9[%swap3A_401, %swap3A_402] {strides = array<i32>} : memref<64x640xf32, #tpu.memory_space<vmem>>, vector<16xf32>,
        tpu.vector_store %arg9[%swap3A_401, %swap3A_402], %broadcast_in_dim3A_3 {strides = array<i32>} : memref<64x640xf32, #tpu.memory_space<vmem>>, vector<16xf32>,
        %mul3A_404 = arith.constant 16 : i32
        %mul3A_405 = arith.muli %add3A_115, %mul3A_404 : i32
        %add3A_406 = arith.addi %mul3A_405, %scan3A_188 : i32
        %swap3A_407 = arith.index_cast %add3A_406 : i32 to index
        %swap3A_408 = arith.constant 576 : index
        %swap3A_409 = tpu.vector_load %arg9[%swap3A_407, %swap3A_408] {strides = array<i32>} : memref<64x640xf32, #tpu.memory_space<vmem>>, vector<16xf32>,
        tpu.vector_store %arg9[%swap3A_407, %swap3A_408], %broadcast_in_dim3A_3 {strides = array<i32>} : memref<64x640xf32, #tpu.memory_space<vmem>>, vector<16xf32>,
        %mul3A_410 = arith.constant 16 : i32
        %mul3A_411 = arith.muli %add3A_115, %mul3A_410 : i32
        %add3A_412 = arith.addi %mul3A_411, %scan3A_188 : i32
        %swap3A_413 = arith.index_cast %add3A_412 : i32 to index
        %swap3A_414 = arith.constant 592 : index
        %swap3A_415 = tpu.vector_load %arg9[%swap3A_413, %swap3A_414] {strides = array<i32>} : memref<64x640xf32, #tpu.memory_space<vmem>>, vector<16xf32>,
        tpu.vector_store %arg9[%swap3A_413, %swap3A_414], %broadcast_in_dim3A_3 {strides = array<i32>} : memref<64x640xf32, #tpu.memory_space<vmem>>, vector<16xf32>,
        %mul3A_416 = arith.constant 16 : i32
        %mul3A_417 = arith.muli %add3A_115, %mul3A_416 : i32
        %add3A_418 = arith.addi %mul3A_417, %scan3A_188 : i32
        %swap3A_419 = arith.index_cast %add3A_418 : i32 to index
        %swap3A_420 = arith.constant 608 : index
        %swap3A_421 = tpu.vector_load %arg9[%swap3A_419, %swap3A_420] {strides = array<i32>} : memref<64x640xf32, #tpu.memory_space<vmem>>, vector<16xf32>,
        tpu.vector_store %arg9[%swap3A_419, %swap3A_420], %broadcast_in_dim3A_3 {strides = array<i32>} : memref<64x640xf32, #tpu.memory_space<vmem>>, vector<16xf32>,
        %mul3A_422 = arith.constant 16 : i32
        %mul3A_423 = arith.muli %add3A_115, %mul3A_422 : i32
        %add3A_424 = arith.addi %mul3A_423, %scan3A_188 : i32
        %swap3A_425 = arith.index_cast %add3A_424 : i32 to index
        %swap3A_426 = arith.constant 624 : index
        %swap3A_427 = tpu.vector_load %arg9[%swap3A_425, %swap3A_426] {strides = array<i32>} : memref<64x640xf32, #tpu.memory_space<vmem>>, vector<16xf32>,
        tpu.vector_store %arg9[%swap3A_425, %swap3A_426], %broadcast_in_dim3A_3 {strides = array<i32>} : memref<64x640xf32, #tpu.memory_space<vmem>>, vector<16xf32>,
      }
      %scan3A_121 = arith.constant 16 : i32
      %mul3A_122 = arith.constant 16 : i32
      %mul3A_123 = arith.muli %add3A_115, %mul3A_122 : i32
      %add3A_124 = arith.addi %mul3A_2, %mul3A_123 : i32
      %mul3A_125 = arith.constant 16 : i32
      %mul3A_126 = arith.muli %add3A_115, %mul3A_125 : i32
      %dma_wait3A_127 = arith.constant 0 : i32
      %dma_wait3A_128 = tpu.memref_slice %arg6[%mul3A_126, %dma_wait3A_127] : memref<64x640xf32, #tpu.memory_space<vmem>> -> memref<16x640xf32, #tpu.memory_space<vmem>>
      %dma_wait3A_129 = arith.constant 0 : i32
      %dma_wait3A_130 = tpu.memref_slice %arg2[%add3A_124, %dma_wait3A_129] : memref<2048x640xf32, #tpu.memory_space<hbm>> -> memref<16x640xf32, #tpu.memory_space<hbm>>
      %dma_wait3A_131 = arith.constant 0 : i32
      %dma_wait3A_132 = tpu.memref_slice %arg6[%mul3A_126, %dma_wait3A_131] : memref<64x640xf32, #tpu.memory_space<vmem>> -> memref<16x640xf32, #tpu.memory_space<vmem>>
      %dma_wait3A_133 = arith.constant 0 : i32
      %dma_wait3A_134 = tpu.memref_slice %arg2[%add3A_124, %dma_wait3A_133] : memref<2048x640xf32, #tpu.memory_space<hbm>> -> memref<16x640xf32, #tpu.memory_space<hbm>>
      tpu.wait_dma2 semaphore(%arg12 : memref<!tpu.dma_semaphore, #tpu.memory_space<semaphore_mem>>) src(%dma_wait3A_134 : memref<16x640xf32, #tpu.memory_space<hbm>>) dst(%dma_wait3A_132 : memref<16x640xf32, #tpu.memory_space<vmem>>)
      %mul3A_135 = arith.constant 16 : i32
      %mul3A_136 = arith.muli %add3A_115, %mul3A_135 : i32
      %add3A_137 = vector.broadcast %mul3A_136 : i32 to vector<16xi32>
      %add3A_138 = arith.addi %add3A_137, %iota3A : vector<16xi32>
      %mul3A_139 = arith.constant 50 : i32
      %mul3A_140 = vector.broadcast %mul3A_139 : i32 to vector<16xi32>
      %mul3A_141 = arith.muli %add3A_138, %mul3A_140 : vector<16xi32>
      %scan3A_142 = arith.constant 0 : i32
      %scan3A_143 = arith.constant 50 : i32
      %scan3A_144 = arith.addi %scan3A_142, %scan3A_143 : i32
      %scan3A_145 = arith.constant 1 : i32
      %scan3A_146:2 = scf.for %scan3A_188 = %scan3A_142 to %scan3A_144 step %scan3A_145 iter_args(%scan3A_189 = %broadcast_in_dim3A_5, %scan3A_190 = %broadcast_in_dim3A_3) -> (vector<16xf32>, vector<16xf32>)  : i32 {
        %add3A_191 = vector.broadcast %scan3A_188 : i32 to vector<16xi32>
        %add3A_192 = arith.addi %mul3A_141, %add3A_191 : vector<16xi32>
        %gather3A = tpu.vector_load_idx %arg7[%add3A_192] : memref<3200xi32, #tpu.memory_space<vmem>>[vector<16xi32>], vector<16xi32>,
        %gather3A_193 = tpu.vector_load_idx %arg6[%add3A_138, %gather3A] : memref<64x640xf32, #tpu.memory_space<vmem>>[vector<16xi32>, vector<16xi32>], vector<16xf32>,
        %eq3A = arith.constant 600 : i32
        %eq3A_194 = vector.broadcast %eq3A : i32 to vector<16xi32>
        %eq3A_195 = arith.cmpi eq, %gather3A, %eq3A_194 : vector<16xi32>
        %select_n3A = arith.select %eq3A_195, %broadcast_in_dim3A_5, %gather3A_193 : vector<16xi1>, vector<16xf32>
        %mul3A_196 = arith.constant 16 : i32
        %mul3A_197 = arith.muli %scan3A_188, %mul3A_196 : i32
        %swap3A = arith.index_cast %mul3A_197 : i32 to index
        %swap3A_198 = tpu.vector_load %arg10[%swap3A] {strides = array<i32>} : memref<800xf32, #tpu.memory_space<vmem>>, vector<16xf32>,
        tpu.vector_store %arg10[%swap3A], %select_n3A {strides = array<i32>} : memref<800xf32, #tpu.memory_space<vmem>>, vector<16xf32>,
        %max3A = arith.maximumf %scan3A_189, %select_n3A : vector<16xf32>
        %sub3A = arith.subf %scan3A_189, %max3A : vector<16xf32>
        %exp3A = math.exp %sub3A : vector<16xf32>
        %mul3A_199 = arith.mulf %scan3A_190, %exp3A : vector<16xf32>
        %sub3A_200 = arith.subf %select_n3A, %max3A : vector<16xf32>
        %exp3A_201 = math.exp %sub3A_200 : vector<16xf32>
        %add3A_202 = arith.addf %mul3A_199, %exp3A_201 : vector<16xf32>
        scf.yield %max3A, %add3A_202 : vector<16xf32>, vector<16xf32>
      }
      %scan3A_147 = arith.constant 50 : i32
      %div3A_148 = arith.divf %broadcast_in_dim3A_7, %scan3A_146#1 : vector<16xf32>
      %scan3A_149 = arith.constant 0 : i32
      %scan3A_150 = arith.constant 0 : i32
      %scan3A_151 = arith.constant 50 : i32
      %scan3A_152 = arith.addi %scan3A_150, %scan3A_151 : i32
      %scan3A_153 = arith.constant 1 : i32
      scf.for %scan3A_188 = %scan3A_150 to %scan3A_152 step %scan3A_153  : i32 {
        %mul3A_189 = arith.constant 16 : i32
        %mul3A_190 = arith.muli %scan3A_188, %mul3A_189 : i32
        %get3A = arith.index_cast %mul3A_190 : i32 to index
        %get3A_191 = tpu.vector_load %arg10[%get3A] {strides = array<i32>} : memref<800xf32, #tpu.memory_space<vmem>>, vector<16xf32>,
        %sub3A = arith.subf %get3A_191, %scan3A_146#0 : vector<16xf32>
        %exp3A = math.exp %sub3A : vector<16xf32>
        %mul3A_192 = arith.mulf %exp3A, %div3A_148 : vector<16xf32>
        %add3A_193 = vector.broadcast %scan3A_188 : i32 to vector<16xi32>
        %add3A_194 = arith.addi %mul3A_141, %add3A_193 : vector<16xi32>
        %gather3A = tpu.vector_load_idx %arg7[%add3A_194] : memref<3200xi32, #tpu.memory_space<vmem>>[vector<16xi32>], vector<16xi32>,
        %add3A_195 = vector.broadcast %scan3A_188 : i32 to vector<16xi32>
        %add3A_196 = arith.addi %mul3A_141, %add3A_195 : vector<16xi32>
        tpu.vector_store_idx %arg8[%add3A_196], %mul3A_192 : memref<3200xf32, #tpu.memory_space<vmem>>[vector<16xi32>], vector<16xf32>,
        tpu.vector_store_idx %arg9[%add3A_138, %gather3A], %mul3A_192 {add = true} : memref<64x640xf32, #tpu.memory_space<vmem>>[vector<16xi32>, vector<16xi32>], vector<16xf32>,
      }
      %scan3A_154 = arith.constant 50 : i32
      %mul3A_155 = arith.constant 16 : i32
      %mul3A_156 = arith.muli %add3A_115, %mul3A_155 : i32
      %mul3A_157 = arith.constant 16 : i32
      %mul3A_158 = arith.muli %add3A_115, %mul3A_157 : i32
      %add3A_159 = arith.addi %mul3A_2, %mul3A_158 : i32
      %dma_start3A_160 = arith.constant 0 : i32
      %dma_start3A_161 = tpu.memref_slice %arg9[%mul3A_156, %dma_start3A_160] : memref<64x640xf32, #tpu.memory_space<vmem>> -> memref<16x640xf32, #tpu.memory_space<vmem>>
      %dma_start3A_162 = arith.constant 0 : i32
      %dma_start3A_163 = tpu.memref_slice %arg5[%add3A_159, %dma_start3A_162] : memref<2048x640xf32, #tpu.memory_space<hbm>> -> memref<16x640xf32, #tpu.memory_space<hbm>>
      %dma_start3A_164 = arith.constant 0 : i32
      %dma_start3A_165 = tpu.memref_slice %arg5[%add3A_159, %dma_start3A_164] : memref<2048x640xf32, #tpu.memory_space<hbm>> -> memref<16x640xf32, #tpu.memory_space<hbm>>
      %dma_start3A_166 = arith.constant 0 : i32
      %dma_start3A_167 = tpu.memref_slice %arg9[%mul3A_156, %dma_start3A_166] : memref<64x640xf32, #tpu.memory_space<vmem>> -> memref<16x640xf32, #tpu.memory_space<vmem>>
      tpu.enqueue_dma source(%dma_start3A_167 : memref<16x640xf32, #tpu.memory_space<vmem>>) target(%dma_start3A_165 : memref<16x640xf32, #tpu.memory_space<hbm>>) target_semaphore(%arg13 : memref<!tpu.dma_semaphore, #tpu.memory_space<semaphore_mem>>)
      %mul3A_168 = arith.constant 16 : i32
      %mul3A_169 = arith.muli %add3A_115, %mul3A_168 : i32
      %mul3A_170 = arith.constant 50 : i32
      %mul3A_171 = arith.muli %mul3A_169, %mul3A_170 : i32
      %mul3A_172 = arith.constant 16 : i32
      %mul3A_173 = arith.muli %add3A_115, %mul3A_172 : i32
      %add3A_174 = arith.addi %mul3A_2, %mul3A_173 : i32
      %mul3A_175 = arith.constant 50 : i32
      %mul3A_176 = arith.muli %add3A_174, %mul3A_175 : i32
      %dma_start3A_177 = tpu.memref_slice %arg8[%mul3A_171] : memref<3200xf32, #tpu.memory_space<vmem>> -> memref<800xf32, #tpu.memory_space<vmem>>
      %dma_start3A_178 = tpu.memref_slice %arg4[%mul3A_176] : memref<102400xf32, #tpu.memory_space<hbm>> -> memref<800xf32, #tpu.memory_space<hbm>>
      %dma_start3A_179 = tpu.memref_slice %arg4[%mul3A_176] : memref<102400xf32, #tpu.memory_space<hbm>> -> memref<800xf32, #tpu.memory_space<hbm>>
      %dma_start3A_180 = tpu.memref_slice %arg8[%mul3A_171] : memref<3200xf32, #tpu.memory_space<vmem>> -> memref<800xf32, #tpu.memory_space<vmem>>
      tpu.enqueue_dma source(%dma_start3A_180 : memref<800xf32, #tpu.memory_space<vmem>>) target(%dma_start3A_179 : memref<800xf32, #tpu.memory_space<hbm>>) target_semaphore(%arg14 : memref<!tpu.dma_semaphore, #tpu.memory_space<semaphore_mem>>)
      %add3A_181 = arith.constant 1 : i32
      %add3A_182 = arith.addi %scan3A_44, %add3A_181 : i32
      %lt3A_183 = arith.constant 2 : i32
      %lt3A_184 = arith.cmpi slt, %add3A_182, %lt3A_183 : i32
      %convert_element_type3A_185 = arith.extui %lt3A_184 : i1 to i32
      %cond3A_186 = arith.constant 0 : i32
      %cond3A_187 = arith.cmpi ne, %convert_element_type3A_185, %cond3A_186 : i32
      scf.if %cond3A_187 {
        %add3A_188 = arith.constant 3 : i32
        %add3A_189 = arith.addi %mul3A_46, %add3A_188 : i32
        %mul3A_190 = arith.constant 16 : i32
        %mul3A_191 = arith.muli %add3A_189, %mul3A_190 : i32
        %add3A_192 = arith.addi %mul3A_2, %mul3A_191 : i32
        %mul3A_193 = arith.constant 16 : i32
        %mul3A_194 = arith.muli %add3A_189, %mul3A_193 : i32
        %dma_start3A_195 = arith.constant 0 : i32
        %dma_start3A_196 = tpu.memref_slice %arg6[%mul3A_194, %dma_start3A_195] : memref<64x640xf32, #tpu.memory_space<vmem>> -> memref<16x640xf32, #tpu.memory_space<vmem>>
        %dma_start3A_197 = arith.constant 0 : i32
        %dma_start3A_198 = tpu.memref_slice %arg2[%add3A_192, %dma_start3A_197] : memref<2048x640xf32, #tpu.memory_space<hbm>> -> memref<16x640xf32, #tpu.memory_space<hbm>>
        %dma_start3A_199 = arith.constant 0 : i32
        %dma_start3A_200 = tpu.memref_slice %arg6[%mul3A_194, %dma_start3A_199] : memref<64x640xf32, #tpu.memory_space<vmem>> -> memref<16x640xf32, #tpu.memory_space<vmem>>
        %dma_start3A_201 = arith.constant 0 : i32
        %dma_start3A_202 = tpu.memref_slice %arg2[%add3A_192, %dma_start3A_201] : memref<2048x640xf32, #tpu.memory_space<hbm>> -> memref<16x640xf32, #tpu.memory_space<hbm>>
        tpu.enqueue_dma source(%dma_start3A_202 : memref<16x640xf32, #tpu.memory_space<hbm>>) target(%dma_start3A_200 : memref<16x640xf32, #tpu.memory_space<vmem>>) target_semaphore(%arg12 : memref<!tpu.dma_semaphore, #tpu.memory_space<semaphore_mem>>)
      } else {
      }
    }
    %scan3A_37 = arith.constant 2 : i32
    %scan3A_38 = arith.constant 0 : i32
    %scan3A_39 = arith.constant 0 : i32
    %scan3A_40 = arith.constant 4 : i32
    %scan3A_41 = arith.addi %scan3A_39, %scan3A_40 : i32
    %scan3A_42 = arith.constant 1 : i32
    scf.for %scan3A_44 = %scan3A_39 to %scan3A_41 step %scan3A_42  : i32 {
      %mul3A_45 = arith.constant 16 : i32
      %mul3A_46 = arith.muli %scan3A_44, %mul3A_45 : i32
      %mul3A_47 = arith.constant 16 : i32
      %mul3A_48 = arith.muli %scan3A_44, %mul3A_47 : i32
      %add3A_49 = arith.addi %mul3A_2, %mul3A_48 : i32
      %dma_wait3A = arith.constant 0 : i32
      %dma_wait3A_50 = tpu.memref_slice %arg9[%mul3A_46, %dma_wait3A] : memref<64x640xf32, #tpu.memory_space<vmem>> -> memref<16x640xf32, #tpu.memory_space<vmem>>
      %dma_wait3A_51 = arith.constant 0 : i32
      %dma_wait3A_52 = tpu.memref_slice %arg5[%add3A_49, %dma_wait3A_51] : memref<2048x640xf32, #tpu.memory_space<hbm>> -> memref<16x640xf32, #tpu.memory_space<hbm>>
      %dma_wait3A_53 = arith.constant 0 : i32
      %dma_wait3A_54 = tpu.memref_slice %arg5[%add3A_49, %dma_wait3A_53] : memref<2048x640xf32, #tpu.memory_space<hbm>> -> memref<16x640xf32, #tpu.memory_space<hbm>>
      %dma_wait3A_55 = arith.constant 0 : i32
      %dma_wait3A_56 = tpu.memref_slice %arg9[%mul3A_46, %dma_wait3A_55] : memref<64x640xf32, #tpu.memory_space<vmem>> -> memref<16x640xf32, #tpu.memory_space<vmem>>
      tpu.wait_dma2 semaphore(%arg13 : memref<!tpu.dma_semaphore, #tpu.memory_space<semaphore_mem>>) src(%dma_wait3A_56 : memref<16x640xf32, #tpu.memory_space<vmem>>) dst(%dma_wait3A_54 : memref<16x640xf32, #tpu.memory_space<hbm>>)
      %mul3A_57 = arith.constant 16 : i32
      %mul3A_58 = arith.muli %scan3A_44, %mul3A_57 : i32
      %mul3A_59 = arith.constant 50 : i32
      %mul3A_60 = arith.muli %mul3A_58, %mul3A_59 : i32
      %mul3A_61 = arith.constant 16 : i32
      %mul3A_62 = arith.muli %scan3A_44, %mul3A_61 : i32
      %add3A_63 = arith.addi %mul3A_2, %mul3A_62 : i32
      %mul3A_64 = arith.constant 50 : i32
      %mul3A_65 = arith.muli %add3A_63, %mul3A_64 : i32
      %dma_wait3A_66 = tpu.memref_slice %arg8[%mul3A_60] : memref<3200xf32, #tpu.memory_space<vmem>> -> memref<800xf32, #tpu.memory_space<vmem>>
      %dma_wait3A_67 = tpu.memref_slice %arg4[%mul3A_65] : memref<102400xf32, #tpu.memory_space<hbm>> -> memref<800xf32, #tpu.memory_space<hbm>>
      %dma_wait3A_68 = tpu.memref_slice %arg4[%mul3A_65] : memref<102400xf32, #tpu.memory_space<hbm>> -> memref<800xf32, #tpu.memory_space<hbm>>
      %dma_wait3A_69 = tpu.memref_slice %arg8[%mul3A_60] : memref<3200xf32, #tpu.memory_space<vmem>> -> memref<800xf32, #tpu.memory_space<vmem>>
      tpu.wait_dma2 semaphore(%arg14 : memref<!tpu.dma_semaphore, #tpu.memory_space<semaphore_mem>>) src(%dma_wait3A_69 : memref<800xf32, #tpu.memory_space<vmem>>) dst(%dma_wait3A_68 : memref<800xf32, #tpu.memory_space<hbm>>)
    }
    %scan3A_43 = arith.constant 4 : i32
    return
  }
}

module attributes {stable_mosaic.version = 14 : i64} {
  func.func @_score_body(%arg0: i32, %arg1: memref<1x1024x1024xf32, #tpu.memory_space<vmem>>, %arg2: memref<1x640x1024xf32, #tpu.memory_space<vmem>>, %arg3: memref<1024x1024xf32, #tpu.memory_space<vmem>>, %arg4: memref<1024x1024xf32, #tpu.memory_space<vmem>>, %arg5: memref<1024x640xf32, #tpu.memory_space<vmem>>) attributes {dimension_semantics = [#tpu.dimension_semantics<arbitrary>], iteration_bounds = array<i64: 2>, scalar_prefetch = 0 : i64, scratch_operands = 0 : i64, tpu.core_type = #tpu.core_type<tc>, window_params = [{transform_indices = @transform_0, window_bounds = array<i64: 1, 1024, 1024>}, {transform_indices = @transform_1, window_bounds = array<i64: 1, 640, 1024>}, {pipeline_mode = #tpu.pipeline_mode<synchronous>, transform_indices = @transform_2, window_bounds = array<i64: 1024, 1024>}, {pipeline_mode = #tpu.pipeline_mode<synchronous>, transform_indices = @transform_3, window_bounds = array<i64: 1024, 1024>}, {transform_indices = @transform_4, window_bounds = array<i64: 1024, 640>}]} {
    %get3A = arith.constant 0 : index
    %get3A_0 = arith.constant 0 : index
    %get3A_1 = arith.constant 0 : index
    %get3A_2 = vector.load %arg1[%get3A, %get3A_0, %get3A_1] : memref<1x1024x1024xf32, #tpu.memory_space<vmem>>, vector<1x1024x1024xf32>
    %get3A_3 = vector.shape_cast %get3A_2 : vector<1x1024x1024xf32> to vector<1024x1024xf32>
    %get3A_4 = arith.constant 0 : index
    %get3A_5 = arith.constant 0 : index
    %get3A_6 = vector.load %arg3[%get3A_4, %get3A_5] : memref<1024x1024xf32, #tpu.memory_space<vmem>>, vector<1024x1024xf32>
    %dot_general3A = arith.constant dense<0.000000e+00> : vector<1024x1024xf32>
    %dot_general3A_7 = tpu.matmul %get3A_3, %get3A_6, %dot_general3A {dimension_numbers = #tpu.dot_dimension_numbers<[1], [1], [0], [0], [0, 0, 1, 0], [], []>, transpose_lhs_hint = false} : vector<1024x1024xf32>, vector<1024x1024xf32>, vector<1024x1024xf32> -> vector<1024x1024xf32>
    %get3A_8 = arith.constant 0 : index
    %get3A_9 = arith.constant 0 : index
    %get3A_10 = arith.constant 0 : index
    %get3A_11 = vector.load %arg2[%get3A_8, %get3A_9, %get3A_10] : memref<1x640x1024xf32, #tpu.memory_space<vmem>>, vector<1x640x1024xf32>
    %get3A_12 = vector.shape_cast %get3A_11 : vector<1x640x1024xf32> to vector<640x1024xf32>
    %get3A_13 = arith.constant 0 : index
    %get3A_14 = arith.constant 0 : index
    %get3A_15 = vector.load %arg4[%get3A_13, %get3A_14] : memref<1024x1024xf32, #tpu.memory_space<vmem>>, vector<1024x1024xf32>
    %dot_general3A_16 = arith.constant dense<0.000000e+00> : vector<640x1024xf32>
    %dot_general3A_17 = tpu.matmul %get3A_12, %get3A_15, %dot_general3A_16 {dimension_numbers = #tpu.dot_dimension_numbers<[1], [1], [0], [0], [0, 0, 1, 0], [], []>, transpose_lhs_hint = false} : vector<640x1024xf32>, vector<1024x1024xf32>, vector<640x1024xf32> -> vector<640x1024xf32>
    %dot_general3A_18 = arith.constant dense<0.000000e+00> : vector<1024x640xf32>
    %dot_general3A_19 = tpu.matmul %dot_general3A_7, %dot_general3A_17, %dot_general3A_18 {dimension_numbers = #tpu.dot_dimension_numbers<[1], [1], [0], [0], [0, 0, 1, 0], [], []>, transpose_lhs_hint = false} : vector<1024x1024xf32>, vector<640x1024xf32>, vector<1024x640xf32> -> vector<1024x640xf32>
    %swap3A = arith.constant 0 : index
    %swap3A_20 = arith.constant 0 : index
    %swap3A_21 = vector.load %arg5[%swap3A, %swap3A_20] : memref<1024x640xf32, #tpu.memory_space<vmem>>, vector<1024x640xf32>
    tpu.vector_store %arg5[%swap3A, %swap3A_20], %dot_general3A_19 {strides = array<i32>} : memref<1024x640xf32, #tpu.memory_space<vmem>>, vector<1024x640xf32>,
    return
  }
  func.func @transform_0(%arg0: i32) -> (i32, i32, i32) {
    %c0_i32 = arith.constant 0 : i32
    %c0_i32_0 = arith.constant 0 : i32
    %c0_i32_1 = arith.constant 0 : i32
    return %arg0, %c0_i32, %c0_i32_0 : i32, i32, i32
  }
  func.func @transform_1(%arg0: i32) -> (i32, i32, i32) {
    %c0_i32 = arith.constant 0 : i32
    %c0_i32_0 = arith.constant 0 : i32
    %c0_i32_1 = arith.constant 0 : i32
    return %arg0, %c0_i32, %c0_i32_0 : i32, i32, i32
  }
  func.func @transform_2(%arg0: i32) -> (i32, i32) {
    %c0_i32 = arith.constant 0 : i32
    %c0_i32_0 = arith.constant 0 : i32
    %c0_i32_1 = arith.constant 0 : i32
    return %c0_i32, %c0_i32_0 : i32, i32
  }
  func.func @transform_3(%arg0: i32) -> (i32, i32) {
    %c0_i32 = arith.constant 0 : i32
    %c0_i32_0 = arith.constant 0 : i32
    %c0_i32_1 = arith.constant 0 : i32
    return %c0_i32, %c0_i32_0 : i32, i32
  }
  func.func @transform_4(%arg0: i32) -> (i32, i32) {
    %c0_i32 = arith.constant 0 : i32
    %c0_i32_0 = arith.constant 0 : i32
    return %arg0, %c0_i32 : i32, i32
  }
}

module attributes {stable_mosaic.version = 14 : i64} {
  func.func @_vp_body(%arg0: i32, %arg1: memref<1x640x256xf32, #tpu.memory_space<vmem>>, %arg2: memref<256x256xf32, #tpu.memory_space<vmem>>, %arg3: memref<1x640x256xf32, #tpu.memory_space<vmem>>) attributes {dimension_semantics = [#tpu.dimension_semantics<arbitrary>], iteration_bounds = array<i64: 2>, scalar_prefetch = 0 : i64, scratch_operands = 0 : i64, tpu.core_type = #tpu.core_type<tc>, window_params = [{transform_indices = @transform_0, window_bounds = array<i64: 1, 640, 256>}, {pipeline_mode = #tpu.pipeline_mode<synchronous>, transform_indices = @transform_1, window_bounds = array<i64: 256, 256>}, {transform_indices = @transform_2, window_bounds = array<i64: 1, 640, 256>}]} {
    %get3A = arith.constant 0 : index
    %get3A_0 = arith.constant 0 : index
    %get3A_1 = arith.constant 0 : index
    %get3A_2 = vector.load %arg1[%get3A, %get3A_0, %get3A_1] : memref<1x640x256xf32, #tpu.memory_space<vmem>>, vector<1x640x256xf32>
    %get3A_3 = vector.shape_cast %get3A_2 : vector<1x640x256xf32> to vector<640x256xf32>
    %get3A_4 = arith.constant 0 : index
    %get3A_5 = arith.constant 0 : index
    %get3A_6 = vector.load %arg2[%get3A_4, %get3A_5] : memref<256x256xf32, #tpu.memory_space<vmem>>, vector<256x256xf32>
    %dot_general3A = arith.constant dense<0.000000e+00> : vector<640x256xf32>
    %dot_general3A_7 = tpu.matmul %get3A_3, %get3A_6, %dot_general3A {dimension_numbers = #tpu.dot_dimension_numbers<[1], [1], [0], [0], [0, 0, 1, 0], [], []>, transpose_lhs_hint = false} : vector<640x256xf32>, vector<256x256xf32>, vector<640x256xf32> -> vector<640x256xf32>
    %swap3A = arith.constant 0 : index
    %swap3A_8 = arith.constant 0 : index
    %swap3A_9 = arith.constant 0 : index
    %swap3A_10 = vector.load %arg3[%swap3A, %swap3A_8, %swap3A_9] : memref<1x640x256xf32, #tpu.memory_space<vmem>>, vector<1x640x256xf32>
    %swap3A_11 = vector.shape_cast %swap3A_10 : vector<1x640x256xf32> to vector<640x256xf32>
    %swap3A_12 = vector.shape_cast %dot_general3A_7 : vector<640x256xf32> to vector<1x640x256xf32>
    tpu.vector_store %arg3[%swap3A, %swap3A_8, %swap3A_9], %swap3A_12 {strides = array<i32>} : memref<1x640x256xf32, #tpu.memory_space<vmem>>, vector<1x640x256xf32>,
    return
  }
  func.func @transform_0(%arg0: i32) -> (i32, i32, i32) {
    %c0_i32 = arith.constant 0 : i32
    %c0_i32_0 = arith.constant 0 : i32
    %c0_i32_1 = arith.constant 0 : i32
    return %arg0, %c0_i32, %c0_i32_0 : i32, i32, i32
  }
  func.func @transform_1(%arg0: i32) -> (i32, i32) {
    %c0_i32 = arith.constant 0 : i32
    %c0_i32_0 = arith.constant 0 : i32
    %c0_i32_1 = arith.constant 0 : i32
    return %c0_i32, %c0_i32_0 : i32, i32
  }
  func.func @transform_2(%arg0: i32) -> (i32, i32, i32) {
    %c0_i32 = arith.constant 0 : i32
    %c0_i32_0 = arith.constant 0 : i32
    %c0_i32_1 = arith.constant 0 : i32
    return %arg0, %c0_i32, %c0_i32_0 : i32, i32, i32
  }
}

module attributes {stable_mosaic.version = 14 : i64} {
  func.func @_out_body(%arg0: i32, %arg1: memref<1024x640xf32, #tpu.memory_space<vmem>>, %arg2: memref<1x640x256xf32, #tpu.memory_space<vmem>>, %arg3: memref<256x256xf32, #tpu.memory_space<vmem>>, %arg4: memref<1x256xf32, #tpu.memory_space<vmem>>, %arg5: memref<1x1024x256xf32, #tpu.memory_space<vmem>>) attributes {dimension_semantics = [#tpu.dimension_semantics<arbitrary>], iteration_bounds = array<i64: 2>, scalar_prefetch = 0 : i64, scratch_operands = 0 : i64, tpu.core_type = #tpu.core_type<tc>, window_params = [{transform_indices = @transform_0, window_bounds = array<i64: 1024, 640>}, {transform_indices = @transform_1, window_bounds = array<i64: 1, 640, 256>}, {pipeline_mode = #tpu.pipeline_mode<synchronous>, transform_indices = @transform_2, window_bounds = array<i64: 256, 256>}, {pipeline_mode = #tpu.pipeline_mode<synchronous>, transform_indices = @transform_3, window_bounds = array<i64: 1, 256>}, {transform_indices = @transform_4, window_bounds = array<i64: 1, 1024, 256>}]} {
    %get3A = arith.constant 0 : index
    %get3A_0 = arith.constant 0 : index
    %get3A_1 = vector.load %arg1[%get3A, %get3A_0] : memref<1024x640xf32, #tpu.memory_space<vmem>>, vector<1024x640xf32>
    %get3A_2 = arith.constant 0 : index
    %get3A_3 = arith.constant 0 : index
    %get3A_4 = arith.constant 0 : index
    %get3A_5 = vector.load %arg2[%get3A_2, %get3A_3, %get3A_4] : memref<1x640x256xf32, #tpu.memory_space<vmem>>, vector<1x640x256xf32>
    %get3A_6 = vector.shape_cast %get3A_5 : vector<1x640x256xf32> to vector<640x256xf32>
    %dot_general3A = arith.constant dense<0.000000e+00> : vector<1024x256xf32>
    %dot_general3A_7 = tpu.matmul %get3A_1, %get3A_6, %dot_general3A {dimension_numbers = #tpu.dot_dimension_numbers<[1], [0], [0], [1], [0, 0, 1, 1], [], []>, transpose_lhs_hint = false} : vector<1024x640xf32>, vector<640x256xf32>, vector<1024x256xf32> -> vector<1024x256xf32>
    %get3A_8 = arith.constant 0 : index
    %get3A_9 = arith.constant 0 : index
    %get3A_10 = vector.load %arg3[%get3A_8, %get3A_9] : memref<256x256xf32, #tpu.memory_space<vmem>>, vector<256x256xf32>
    %dot_general3A_11 = arith.constant dense<0.000000e+00> : vector<1024x256xf32>
    %dot_general3A_12 = tpu.matmul %dot_general3A_7, %get3A_10, %dot_general3A_11 {dimension_numbers = #tpu.dot_dimension_numbers<[1], [1], [0], [0], [0, 0, 1, 0], [], []>, transpose_lhs_hint = false} : vector<1024x256xf32>, vector<256x256xf32>, vector<1024x256xf32> -> vector<1024x256xf32>
    %get3A_13 = arith.constant 0 : index
    %get3A_14 = arith.constant 0 : index
    %get3A_15 = vector.load %arg4[%get3A_13, %get3A_14] : memref<1x256xf32, #tpu.memory_space<vmem>>, vector<1x256xf32>
    %add3A = vector.broadcast %get3A_15 : vector<1x256xf32> to vector<1024x256xf32>
    %add3A_16 = arith.addf %dot_general3A_12, %add3A : vector<1024x256xf32>
    %swap3A = arith.constant 0 : index
    %swap3A_17 = arith.constant 0 : index
    %swap3A_18 = arith.constant 0 : index
    %swap3A_19 = vector.load %arg5[%swap3A, %swap3A_17, %swap3A_18] : memref<1x1024x256xf32, #tpu.memory_space<vmem>>, vector<1x1024x256xf32>
    %swap3A_20 = vector.shape_cast %swap3A_19 : vector<1x1024x256xf32> to vector<1024x256xf32>
    %swap3A_21 = vector.shape_cast %add3A_16 : vector<1024x256xf32> to vector<1x1024x256xf32>
    tpu.vector_store %arg5[%swap3A, %swap3A_17, %swap3A_18], %swap3A_21 {strides = array<i32>} : memref<1x1024x256xf32, #tpu.memory_space<vmem>>, vector<1x1024x256xf32>,
    return
  }
  func.func @transform_0(%arg0: i32) -> (i32, i32) {
    %c0_i32 = arith.constant 0 : i32
    %c0_i32_0 = arith.constant 0 : i32
    return %arg0, %c0_i32 : i32, i32
  }
  func.func @transform_1(%arg0: i32) -> (i32, i32, i32) {
    %c0_i32 = arith.constant 0 : i32
    %c0_i32_0 = arith.constant 0 : i32
    %c0_i32_1 = arith.constant 0 : i32
    return %arg0, %c0_i32, %c0_i32_0 : i32, i32, i32
  }
  func.func @transform_2(%arg0: i32) -> (i32, i32) {
    %c0_i32 = arith.constant 0 : i32
    %c0_i32_0 = arith.constant 0 : i32
    %c0_i32_1 = arith.constant 0 : i32
    return %c0_i32, %c0_i32_0 : i32, i32
  }
  func.func @transform_3(%arg0: i32) -> (i32, i32) {
    %c0_i32 = arith.constant 0 : i32
    %c0_i32_0 = arith.constant 0 : i32
    %c0_i32_1 = arith.constant 0 : i32
    return %c0_i32, %c0_i32_0 : i32, i32
  }
  func.func @transform_4(%arg0: i32) -> (i32, i32, i32) {
    %c0_i32 = arith.constant 0 : i32
    %c0_i32_0 = arith.constant 0 : i32
    %c0_i32_1 = arith.constant 0 : i32
    return %arg0, %c0_i32, %c0_i32_0 : i32, i32, i32
  }
}

</mosaic_0001>

<sc_bundles>
// kernel: kernel.6.cloned.1.call-start
scs
__scs_entry_jumppad:
0x0: {  	(pc) =	sbr.rel $0x88, $3  }
0x1: {  	(tag) =	ssettag $0x0;
	lr =	simm.s32 $0x1  }
0x2: {  	[smem:$0x3F98] =	sst lr;
	_ =	strace $0xD0000000  }
0x3: {  	_ = 	snop  }
0x4: {  	_ = 	snop  }
0x5: {  	_ = 	snop  }
0x6: {  	_ = 	snop  }
0x7: {  	_ = 	snop  }
__scs_overlays_trampoline_lowered:
0x8: {  	[smem:$0x3FA7] =	sst s0  }
0x9: {  	[smem:$0x3FA8] =	sst s1  }
0xa: {  	[smem:$0x3FA9] =	sst s2  }
0xb: {  	[smem:$0x3FAA] =	sst s3  }
0xc: {  	[smem:$0x3FAB] =	sst s4  }
0xd: {  	[smem:$0x3FAC] =	sst s5  }
0xe: {  	[smem:$0x3FAD] =	sst s6  }
0xf: {  	[smem:$0x3FAE] =	sst s7  }
0x10: {  	[smem:$0x3FAF] =	sst s8  }
0x11: {  	[smem:$0x3FB0] =	sst s9;
	s0 =	simm.s32 @!p0 $0x0  }
0x12: {  	s1 =	sld [smem:$0x3F96];
	s0 =	simm.s32 @p0 $0x1  }
0x13: {  	[smem:$0x3FB1] =	sst s0;
	s0 =	simm.s32 @!p1 $0x0  }
0x14: {  	s2 =	sld [smem:$0x3F95];
	s0 =	simm.s32 @p1 $0x1  }
0x15: {  	[smem:$0x3FB2] =	sst s0;
	s0 =	simm.s32 @!p2 $0x0  }
0x16: {  	s3 =	sld [smem:$0x3FDB];
	s0 =	simm.s32 @p2 $0x1  }
0x17: {  	s4 =	simm.s32 $0x1BF5;
	[smem:$0x3FB4] =	sst s0  }
0x18: {  	s0 =	sld [smem:$0x3F97];
	_ =	swait.ge [sflag:s4], $0x0  }
0x19: {  	s7 =	sld [smem:$0x3F98]  }
0x1a: {  	s8 =	sadd.s32 $0xFFFFE003, lr  }
0x1b: {  	s9 =	sadd.s32 $0xFFFFFEF7, lr;
	s5 =	simm.s32 $0xFFFFFFFF;
	p2 =	slt.u32 s8, $0xFFFFF086  }
0x1c: {  	p1 =	slt.u32 s9, $0xF7A;
	s5 =	simm.s32 @!p2 $0x0  }
0x1d: {  	s5 =	simm.s32 @p1 $0x1;
	p0 =	seq.s32 s7, s2  }
0x1e: {  	s7 =	smul.u32 @!p0 $0xF7A, s2;
	p2 =	seq.s32 @!p0 s5, $0x0  }
0x1f: {  	s9 =	smul.u32 $0xF7A, s1;
	s8 =	simm.s32 @!p0 $0x1BF5;
	p2 =	por !p2, p0  }
0x20: {  	[sflag:s8] =	ssyncset.s32 @!p0 $0xFFFFF086;
	s6 =	sadd.s32 @!p0 s3, s7;
	s7 =	simm.s32 @!p0 $0x108  }
0x21: {  	s3 =	sadd.s32 s3, s9;
	s6 =	sadd.s32 @!p0 $0x88, s6;
	s7 =	simm.s32 @p2 $0x1082  }
0x22: {  	[simem:s7], [sflag:s8] =	dma.local @!p0 [hbm:s6], $0xF7A  }
0x23: {  	s9 =	sor.u32 $0xD0000000, s2;
	s6 =	simm.s32 $0x108;
	_ =	swait.ge @!p0 [sflag:s8], $0x0  }
0x24: {  	s3 =	sadd.s32 $0x88, s3;
	s6 =	simm.s32 @!p1 $0x1082;
	[sflag:s4] =	ssyncset.s32 $0xFFFFF086  }
0x25: {  	[simem:s6], [sflag:s4] =	dma.local [hbm:s3], $0xF7A  }
0x26: {  	[smem:$0x3F98] =	sst s1;
	(tag) =	ssettag s2;
	_ =	strace s9  }
0x27: {  	s1 =	sld [smem:$0x3FA8]  }
0x28: {  	s2 =	sld [smem:$0x3FA9]  }
0x29: {  	s4 =	sld [smem:$0x3FAB]  }
0x2a: {  	p0 =	seq.s32 s5, $0x0;
	s5 =	sld [smem:$0x3FAC]  }
0x2b: {  	s6 =	sld [smem:$0x3FAD]  }
0x2c: {  	s7 =	sld [smem:$0x3FAE]  }
0x2d: {  	s3 =	simm.s32 $0x108;
	s8 =	sld [smem:$0x3FAF]  }
0x2e: {  	s3 =	simm.s32 @!p0 $0x1082;
	s9 =	sld [smem:$0x3FB0]  }
0x2f: {  	lr =	sadd.s32 s0, s3;
	s0 =	sld [smem:$0x3FA7]  }
0x30: {  	s3 =	sld [smem:$0x3FAA]  }
0x31: {  	[smem:$0x3FB3] =	sst s10  }
0x32: {  	s10 =	sld [smem:$0x3FB1];
	_ =	sdelay $0x3  }
0x33: {  	p0 =	seq.s32 s10, $0x1;
	s10 =	sld [smem:$0x3FB3];
	_ =	sdelay $0x3  }
0x34: {  	[smem:$0x3FB3] =	sst s10  }
0x35: {  	s10 =	sld [smem:$0x3FB2];
	_ =	sdelay $0x3  }
0x36: {  	p1 =	seq.s32 s10, $0x1;
	s10 =	sld [smem:$0x3FB3];
	_ =	sdelay $0x3  }
0x37: {  	[smem:$0x3FB3] =	sst s10  }
0x38: {  	s10 =	sld [smem:$0x3FB4]  }
0x39: {  	_ = 	snop;
	(pc) =	sbr.ind lr, $3  }
0x3a: {  	_ = 	snop  }
0x3b: {  	_ = 	snop  }
0x3c: {  	p2 =	seq.s32 s10, $0x1;
	s10 =	sld [smem:$0x3FB3]  }
0x3d: {  	_ =	shalt  }
0x3e: {  	_ =	shalt  }
0x3f: {  	_ =	shalt  }
0x40: {  	_ =	shalt  }
0x41: {  	_ =	shalt  }
0x42: {  	_ =	shalt  }
0x43: {  	_ =	shalt  }
0x44: {  	_ =	shalt  }
0x45: {  	_ =	shalt  }
0x46: {  	_ =	shalt  }
0x47: {  	_ =	shalt  }
0x48: {  	_ =	shalt  }
0x49: {  	_ =	shalt  }
0x4a: {  	_ =	shalt  }
0x4b: {  	_ =	shalt  }
0x4c: {  	_ =	shalt  }
0x4d: {  	_ =	shalt  }
0x4e: {  	_ =	shalt  }
0x4f: {  	_ =	shalt  }
0x50: {  	_ =	shalt  }
0x51: {  	_ =	shalt  }
0x52: {  	_ =	shalt  }
0x53: {  	_ =	shalt  }
0x54: {  	_ =	shalt  }
0x55: {  	_ =	shalt  }
0x56: {  	_ =	shalt  }
0x57: {  	_ =	shalt  }
0x58: {  	_ =	shalt  }
0x59: {  	_ =	shalt  }
0x5a: {  	_ =	shalt  }
0x5b: {  	_ =	shalt  }
0x5c: {  	_ =	shalt  }
0x5d: {  	_ =	shalt  }
0x5e: {  	_ =	shalt  }
0x5f: {  	_ =	shalt  }
0x60: {  	_ =	shalt  }
0x61: {  	_ =	shalt  }
0x62: {  	_ =	shalt  }
0x63: {  	_ =	shalt  }
0x64: {  	_ =	shalt  }
0x65: {  	_ =	shalt  }
0x66: {  	_ =	shalt  }
0x67: {  	_ =	shalt  }
0x68: {  	_ =	shalt  }
0x69: {  	_ =	shalt  }
0x6a: {  	_ =	shalt  }
0x6b: {  	_ =	shalt  }
0x6c: {  	_ =	shalt  }
0x6d: {  	_ =	shalt  }
0x6e: {  	_ =	shalt  }
0x6f: {  	_ =	shalt  }
0x70: {  	_ =	shalt  }
0x71: {  	_ =	shalt  }
0x72: {  	_ =	shalt  }
0x73: {  	_ =	shalt  }
0x74: {  	_ =	shalt  }
0x75: {  	_ =	shalt  }
0x76: {  	_ =	shalt  }
0x77: {  	_ =	shalt  }
0x78: {  	_ =	shalt  }
0x79: {  	_ =	shalt  }
0x7a: {  	_ =	shalt  }
0x7b: {  	_ =	shalt  }
0x7c: {  	_ =	shalt  }
0x7d: {  	_ =	shalt  }
0x7e: {  	_ =	shalt  }
0x7f: {  	_ =	shalt  }
0x80: {  	_ =	shalt  }
0x81: {  	_ =	shalt  }
0x82: {  	_ =	shalt  }
0x83: {  	_ =	shalt  }
0x84: {  	_ =	shalt  }
0x85: {  	_ =	shalt  }
0x86: {  	_ =	shalt  }
0x87: {  	_ =	shalt  }
.Lfunc_end0:
.L_simem_size_0:
called_computation_lowered:
.L_overlay_start_0:
0x88: {  	s2 =	sld [smem:$0x3FD9]  }
0x89: {  	s3 =	sld [smem:$0x3FFE];
	_ =	sdelay $0x1  }
0x8a: {  	s1 =	srdreg.scid  }
0x8b: {  	s0 =	sand.u32 $0x1, s1  }
0x8c: {  	s14 =	sshll.u32 s0, $0xA;
	s2 =	sadd.s32 s3, s2  }
0x8d: {  	s2 =	sadd.s32 s2, s14  }
0x8e: {  	[smem:$0x3FBF] =	sst s2  }
0x8f: {  	_ = 	snop  }
0x90: {  	s2 =	sld [smem:$0x3FD0];
	_ =	sdelay $0x2  }
0x91: {  	s15 =	simm.s32 $0xA;
	s4 =	simm.s32 $0x10  }
0x92: {  	[smem:s4], [sflag:s15] =	dma.local [hbm:s2], $0x1  }
0x93: {  	_ =	swait.eq [sflag:s15], $0x1  }
0x94: {  	[sflag:s15] =	ssyncset.done $0x0  }
0x95: {  	s16 =	sld [smem:$0x10];
	[sflag:s15] =	ssyncadd.s32 $0xFFFFFFFF  }
0x96: {  	s17 =	sld [smem:$0x11];
	(tm) =	ssettm $0x1  }
0x97: {  	s18 =	sld [smem:$0x3FFB];
	_ =	sdelay $0x3  }
0x98: {  	_ =	strace s18  }
0x99: {  	s4 =	sld [smem:$0x3FFC];
	_ =	sdelay $0x3  }
0x9a: {  	_ =	strace s4  }
0x9b: {  	s4 =	sld [smem:$0x3FFD];
	_ =	sdelay $0x3  }
0x9c: {  	_ =	strace s4  }
0x9d: {  	_ =	strace $0x8FFFFFFF  }
0x9e: {  	s19 =	sld [smem:$0x3FDB];
	_ =	sdelay $0x1  }
0x9f: {  	s5 =	simm.s32 $_scs_section_size  }
0xa0: {  	s6 =	simm.s32 $_size__tile_overlayer_lowered;
	s7 =	simm.s32 $_tile_overlayer_lowered  }
0xa1: {  	s22 =	simm.s32 $0x1BFF;
	s21 =	sshll.u32 s7, $0x1;
	s4 =	sadd.s32 s5, s19  }
0xa2: {  	s8 =	simm.s32 $0x0;
	s20 =	sshll.u32 s6, $0x1;
	s6 =	sadd.s32 s21, s4  }
0xa3: {  	[timem:s8], [sflag:s22] =	dma.local [hbm:s6], s20  }
0xa4: {  	_ =	swait.ge [sflag:s22], s20  }
0xa5: {  	s5 =	ssub.s32 $0x0, s20;
	[sflag:s22] =	ssyncset.done $0x0  }
0xa6: {  	[sflag:s22] =	ssyncadd.s32 s5;
	_ =	sdelay $0x1  }
0xa7: {  	s23 =	simm.s32 $0x1B8B  }
0xa8: {  	_ =	swait.ge [sflag:s23], $0x1  }
0xa9: {  	[sflag:s23] =	ssyncset.done $0x0  }
0xaa: {  	s25 =	simm.s32 $0x1B8E;
	s24 =	sld [smem:$0x3FFE];
	[sflag:s23] =	ssyncadd.s32 $0xFFFFFFFF  }
0xab: {  	s26 =	simm.s32 $execute0_lowered;
	[smem:$0x3FD2] =	sst s25  }
0xac: {  	s6 =	sshll.u32 s26, $0x1;
	_ =	strace $0x80000046;
	[dreg:$0x1] =	wrdreg $0xFFFFFFFF  }
0xad: {  	s28 =	simm.s32 $_size_execute0_lowered;
	s4 =	sadd.s32 s4, s6;
	[dreg:$0x0] =	wrdreg $0x0  }
0xae: {  	s6 =	sshll.u32 s28, $0x1;
	[dreg:$0x2] =	wrdreg s4  }
0xaf: {  	[dreg:$0x3] =	wrdreg s6  }
0xb0: {  	[dreg:$0x4] =	wrdreg $0xC0  }
0xb1: {  	_ =	task [dreg:s8], $0x5FFFF  }
0xb2: {  	[dreg:$0x1] =	wrdreg $0xFFFFFFFF  }
0xb3: {  	[dreg:$0x0] =	wrdreg $0x60  }
0xb4: {  	[dreg:$0x2] =	wrdreg s24  }
0xb5: {  	[dreg:$0x3] =	wrdreg s17  }
0xb6: {  	[dreg:$0x4] =	wrdreg s16  }
0xb7: {  	[dreg:$0x5] =	wrdreg $0x9  }
0xb8: {  	_ =	task.clear_ibuf [dreg:s8], $0x6FFFF;
	_ =	strace $0x90000046  }
0xb9: {  	s29 =	simm.s32 $0x9;
	_ =	strace $0x80000048  }
0xba: {  	_ =	swait.ge [sflag:s29], $0x1  }
0xbb: {  	[sflag:s29] =	ssyncadd.s32 $0xFFFFFFFF  }
0xbc: {  	_ =	strace $0x90000048  }
0xbd: {  	_ =	sfence  }
0xbe: {  	s30 =	sld [smem:$0x0];
	_ =	sdelay $0x2  }
0xbf: {  	s31 =	sshll.u32 s1, $0xD;
	s1 =	sshrl.u32 s1, $0x2  }
0xc0: {  	s3 =	sand.u32 $0x4000, s31;
	s1 =	sadd.s32 s1, s30  }
0xc1: {  	s0 =	sor.u32 s3, s0;
	s1 =	sshll.u32 s1, $0x11  }
0xc2: {  	s0 =	sor.u32 s1, s0  }
0xc3: {  	s0 =	sadd.s32 $0x8F2B, s0  }
0xc4: {  	[sflag:s0] =	ssyncadd.remote.s32 $0x1  }
0xc5: {  	_ =	sfence.sel $0xFFFF  }
0xc6: {  	[dreg:$0x0] =	wrdreg $0xFFFFFFFF;
	(pc) =	sbr.abs _section_cstart, $3  }
0xc7: {  	[dreg:$0x1] =	wrdreg $0xFFFFFFFF  }
0xc8: {  	_ =	task.clear_ibuf [dreg:s8], $0x2FFFF;
	_ =	strace $0x9FFFFFFF  }
0xc9: {  	(tm) =	ssettm $0x7FFFFFFF  }
tec
execute0_lowered:
.L_overlay_start_1:
0x0: {  	(tag) =	ssettag $0x1  }
0x1: {  	s4 =	rddreg [dreg:$0x0]  }
0x2: {  	s8 =	rddreg [dreg:$0x1]  }
0x3: {  	s2 =	rddreg [dreg:$0x2]  }
0x4: {  	s0 =	rddreg [dreg:$0x3];
	s5 =	srdreg.scid  }
0x5: {  	s1 =	stileid.u32;
	s3 =	simm.s32 $0x0;
	s13 =	simm.s32 $0xA000  }
0x6: {  	s14 =	simm.s32 $0x5;
	s15 =	simm.s32 $0x1;
	s16 =	simm.s32 $0xAC80  }
0x7: {  	s17 =	simm.s32 $0xB900;
	s5 =	sand.u32 $0x1, s5;
	s6 =	sshll.u32 s1, $0x1  }
0x8: {  	s18 =	simm.s32 $0x2;
	s19 =	simm.s32 $0x7800;
	s6 =	sor.u32 s5, s6  }
0x9: {  	s20 =	simm.s32 $0x3;
	s21 =	simm.s32 $0x4;
	s7 =	smul.u32 $0xA000, s6  }
0xa: {  	s22 =	simm.s32 $0x0;
	[smem:$0x7FF] =	sst s3;
	s11 =	smul.u32 $0x1400, s6  }
0xb: {  	s9 =	sadd.s32 $0x1A00, s4;
	s5 =	ssub.s32 $0x2, s5;
	s31 =	smul.u32 $0x190, s6  }
.Ltmp0:
0xc: {  	s4 =	sadd.s32 $0x29A00, s4;
	s10 =	sshrl.u32 s5, $0x1;
	(pc) =	sbr.rel .LBB2_1-.Ltmp0, $4  }
0xd: {  	_ =	strace $0x80000047;
	s12 =	ssub.s32 s5, s10;
	s5 =	sshll.u32 s6, $0x6  }
0xe: {  	v0 =	vlaneseq.u32;
	s7 =	sshrl.u32 s7, $0x3;
	s6 =	sadd.s32 s9, s11;
	s8 =	sadd.s32 s8, s31  }
0xf: {  	v2 =	vand.u32 $0x7, v0;
	s11 =	smax.u32 s12, $0x1;
	s12 =	simm.s32 $0x2800;
	s7 =	sadd.s32 s9, s7  }
0x10: {  	v1 =	vimm.f32 $0.0e+00;
	v2 =	vmul.u32 $0x80, v2;
	s9 =	sadd.s32 $0xA00, s6;
	s10 =	sadd.s32 $0xF00, s6;
	s7 =	sadd.s32 $0x500, s7  }
.LBB2_16:
0x11: {  	_ =	swait.ge [sflag:s20], $0x2800  }
0x12: {  	[sflag:s20] =	ssyncset.done $0x0  }
0x13: {  	[sflag:s20] =	ssyncadd.s32 $0xFFFFD800  }
0x14: {  	_ =	swait.ge [sflag:s21], $0x320  }
0x15: {  	[sflag:s21] =	ssyncset.done $0x0  }
0x16: {  	[sflag:s21] =	ssyncadd.s32 $0xFFFFFCE0  }
0x17: {  	_ =	swait.ge [sflag:s20], $0x2800  }
0x18: {  	[sflag:s20] =	ssyncset.done $0x0  }
0x19: {  	[sflag:s20] =	ssyncadd.s32 $0xFFFFD800  }
0x1a: {  	_ =	swait.ge [sflag:s21], $0x320  }
0x1b: {  	[sflag:s21] =	ssyncset.done $0x0  }
0x1c: {  	[sflag:s21] =	ssyncadd.s32 $0xFFFFFCE0  }
0x1d: {  	_ =	swait.ge [sflag:s20], $0x2800  }
0x1e: {  	[sflag:s20] =	ssyncset.done $0x0  }
0x1f: {  	[sflag:s20] =	ssyncadd.s32 $0xFFFFD800  }
0x20: {  	_ =	swait.ge [sflag:s21], $0x320  }
0x21: {  	[sflag:s21] =	ssyncset.done $0x0  }
0x22: {  	s22 =	sadd.s32 $0x1, s22;
	[sflag:s21] =	ssyncadd.s32 $0xFFFFFCE0  }
0x23: {  	p0 =	sne.s32 s22, s11;
	_ =	swait.ge [sflag:s20], $0x2800  }
.Ltmp1:
0x24: {  	[sflag:s20] =	ssyncset.done $0x0;
	(pc) =	sbr.rel @!p0 .LBB2_17-.Ltmp1, $4  }
0x25: {  	[sflag:s20] =	ssyncadd.s32 $0xFFFFD800  }
0x26: {  	_ =	swait.ge [sflag:s21], $0x320  }
0x27: {  	[sflag:s21] =	ssyncset.done $0x0  }
0x28: {  	[sflag:s21] =	ssyncadd.s32 $0xFFFFFCE0  }
.LBB2_1:
0x29: {  	[tilespmem:s3], [sflag:$0x1] =	stream.linear.gather [hbm4b:s6+s3], $0x2800, $0x38;
	[tilespmem:$0x15C80] =	vst v63  }
0x2a: {  	_ = 	snop  }
0x2b: {  	[tilespmem:s12], [sflag:$0x2] =	stream.linear.gather [hbm4b:s7+s3], $0x2800, $0x38;
	[tilespmem:$0x15C80] =	vst v63  }
0x2c: {  	_ = 	snop  }
0x2d: {  	[tilespmem:s13], [sflag:$0x5] =	stream.linear.gather [hbm4b:s8+s3], $0xC80, $0x38;
	[tilespmem:$0x15C80] =	vst v63  }
0x2e: {  	_ =	swait.ge [sflag:s14], $0xC80  }
0x2f: {  	[sflag:s14] =	ssyncset.done $0x0  }
0x30: {  	p0 =	por $0x1, $0x1;
	s23 =	simm.s32 $0x0;
	[sflag:s14] =	ssyncadd.s32 $0xFFFFF380  }
.LBB2_2:
0x31: {  	s24 =	sshll.u32 s23, $0x5  }
0x32: {  	s25 =	sshrl.u32 s24, $0x3  }
0x33: {  	s25 =	smul.u32 $0x5000, s25  }
0x34: {  	s26 =	simm.s32 $0x0  }
0x35: {  	s26 =	sand.u32 $0x380, s26;
	s25 =	sshra.s32 s25, $0x2  }
0x36: {  	s25 =	sor.u32 s26, s25  }
0x37: {  	[tilespmem:s25+$0xC970] =	vst v1  }
0x38: {  	[tilespmem:s25+$0xB900] =	vst v1  }
0x39: {  	[tilespmem:s25+$0xB910] =	vst v1  }
0x3a: {  	[tilespmem:s25+$0xB920] =	vst v1  }
0x3b: {  	[tilespmem:s25+$0xB930] =	vst v1  }
0x3c: {  	[tilespmem:s25+$0xB940] =	vst v1  }
0x3d: {  	[tilespmem:s25+$0xB950] =	vst v1  }
0x3e: {  	[tilespmem:s25+$0xB960] =	vst v1  }
0x3f: {  	[tilespmem:s25+$0xB970] =	vst v1  }
0x40: {  	[tilespmem:s25+$0xBD00] =	vst v1  }
0x41: {  	[tilespmem:s25+$0xBD10] =	vst v1  }
0x42: {  	[tilespmem:s25+$0xBD20] =	vst v1  }
0x43: {  	[tilespmem:s25+$0xBD30] =	vst v1  }
0x44: {  	[tilespmem:s25+$0xBD40] =	vst v1  }
0x45: {  	[tilespmem:s25+$0xBD50] =	vst v1  }
0x46: {  	[tilespmem:s25+$0xBD60] =	vst v1  }
0x47: {  	[tilespmem:s25+$0xBD70] =	vst v1  }
0x48: {  	[tilespmem:s25+$0xC100] =	vst v1  }
0x49: {  	[tilespmem:s25+$0xC110] =	vst v1  }
0x4a: {  	[tilespmem:s25+$0xC120] =	vst v1  }
0x4b: {  	[tilespmem:s25+$0xC130] =	vst v1  }
0x4c: {  	[tilespmem:s25+$0xC140] =	vst v1  }
0x4d: {  	[tilespmem:s25+$0xC150] =	vst v1  }
0x4e: {  	[tilespmem:s25+$0xC160] =	vst v1  }
0x4f: {  	[tilespmem:s25+$0xC170] =	vst v1  }
0x50: {  	[tilespmem:s25+$0xC500] =	vst v1  }
0x51: {  	[tilespmem:s25+$0xC510] =	vst v1  }
0x52: {  	[tilespmem:s25+$0xC520] =	vst v1  }
0x53: {  	[tilespmem:s25+$0xC530] =	vst v1  }
0x54: {  	[tilespmem:s25+$0xC540] =	vst v1  }
0x55: {  	[tilespmem:s25+$0xC550] =	vst v1  }
0x56: {  	[tilespmem:s25+$0xC560] =	vst v1  }
0x57: {  	[tilespmem:s25+$0xC570] =	vst v1  }
0x58: {  	[tilespmem:s25+$0xC900] =	vst v1  }
0x59: {  	s28 =	sadd.s32 $0x1, s24;
	[tilespmem:s25+$0xC910] =	vst v1  }
0x5a: {  	s29 =	simm.s32 $0x100;
	s30 =	sshrl.u32 s28, $0x3;
	s26 =	simm.s32 $0x80;
	[tilespmem:s25+$0xC920] =	vst v1  }
.LBB2_3:
0x5b: {  	p1 =	sne.s32 s29, $0x780;
	s30 =	smul.u32 $0x5000, s30;
	[tilespmem:s25+$0xC930] =	vst v1  }
0x5c: {  	[tilespmem:s25+$0xC940] =	vst v1  }
0x5d: {  	s31 =	sand.u32 $0x380, s26;
	s26 =	smov.u32 s29;
	s30 =	sshra.s32 s30, $0x2;
	[tilespmem:s25+$0xC950] =	vst v1  }
0x5e: {  	[tilespmem:s25+$0xC960] =	vst v1;
	s25 =	sor.u32 s31, s30  }
0x5f: {  	[tilespmem:s25+$0xC970] =	vst v1  }
0x60: {  	[tilespmem:s25+$0xB900] =	vst v1  }
0x61: {  	[tilespmem:s25+$0xB910] =	vst v1  }
0x62: {  	[tilespmem:s25+$0xB920] =	vst v1  }
0x63: {  	[tilespmem:s25+$0xB930] =	vst v1  }
0x64: {  	[tilespmem:s25+$0xB940] =	vst v1  }
0x65: {  	[tilespmem:s25+$0xB950] =	vst v1  }
0x66: {  	[tilespmem:s25+$0xB960] =	vst v1  }
0x67: {  	[tilespmem:s25+$0xB970] =	vst v1  }
0x68: {  	[tilespmem:s25+$0xBD00] =	vst v1  }
0x69: {  	[tilespmem:s25+$0xBD10] =	vst v1  }
0x6a: {  	[tilespmem:s25+$0xBD20] =	vst v1  }
0x6b: {  	[tilespmem:s25+$0xBD30] =	vst v1  }
0x6c: {  	[tilespmem:s25+$0xBD40] =	vst v1  }
0x6d: {  	[tilespmem:s25+$0xBD50] =	vst v1  }
0x6e: {  	[tilespmem:s25+$0xBD60] =	vst v1  }
0x6f: {  	[tilespmem:s25+$0xBD70] =	vst v1  }
0x70: {  	[tilespmem:s25+$0xC100] =	vst v1  }
0x71: {  	[tilespmem:s25+$0xC110] =	vst v1  }
0x72: {  	[tilespmem:s25+$0xC120] =	vst v1  }
0x73: {  	[tilespmem:s25+$0xC130] =	vst v1  }
0x74: {  	[tilespmem:s25+$0xC140] =	vst v1  }
0x75: {  	[tilespmem:s25+$0xC150] =	vst v1  }
0x76: {  	[tilespmem:s25+$0xC160] =	vst v1  }
0x77: {  	[tilespmem:s25+$0xC170] =	vst v1  }
0x78: {  	[tilespmem:s25+$0xC500] =	vst v1  }
0x79: {  	[tilespmem:s25+$0xC510] =	vst v1  }
0x7a: {  	[tilespmem:s25+$0xC520] =	vst v1  }
0x7b: {  	[tilespmem:s25+$0xC530] =	vst v1  }
0x7c: {  	[tilespmem:s25+$0xC540] =	vst v1  }
0x7d: {  	[tilespmem:s25+$0xC550] =	vst v1  }
.Ltmp2:
0x7e: {  	[tilespmem:s25+$0xC560] =	vst v1;
	(pc) =	sbr.rel @p1 .LBB2_3-.Ltmp2, $4  }
0x7f: {  	[tilespmem:s25+$0xC570] =	vst v1  }
0x80: {  	[tilespmem:s25+$0xC900] =	vst v1  }
0x81: {  	s28 =	sadd.s32 $0x1, s28;
	[tilespmem:s25+$0xC910] =	vst v1  }
0x82: {  	s29 =	sadd.s32 $0x80, s29;
	s30 =	sshrl.u32 s28, $0x3;
	[tilespmem:s25+$0xC920] =	vst v1  }
0x83: {  	s28 =	smul.u32 $0x5000, s30;
	[tilespmem:s25+$0xC930] =	vst v1  }
0x84: {  	[tilespmem:s25+$0xC940] =	vst v1  }
0x85: {  	s26 =	sand.u32 $0x380, s26;
	[tilespmem:s25+$0xC950] =	vst v1;
	s28 =	sshra.s32 s28, $0x2  }
0x86: {  	[tilespmem:s25+$0xC960] =	vst v1;
	s26 =	sor.u32 s26, s28  }
0x87: {  	[tilespmem:s26+$0xC970] =	vst v1  }
0x88: {  	[tilespmem:s26+$0xB900] =	vst v1  }
0x89: {  	[tilespmem:s26+$0xB910] =	vst v1  }
0x8a: {  	[tilespmem:s26+$0xB920] =	vst v1  }
0x8b: {  	[tilespmem:s26+$0xB930] =	vst v1  }
0x8c: {  	[tilespmem:s26+$0xB940] =	vst v1  }
0x8d: {  	[tilespmem:s26+$0xB950] =	vst v1  }
0x8e: {  	[tilespmem:s26+$0xB960] =	vst v1  }
0x8f: {  	[tilespmem:s26+$0xB970] =	vst v1  }
0x90: {  	[tilespmem:s26+$0xBD00] =	vst v1  }
0x91: {  	[tilespmem:s26+$0xBD10] =	vst v1  }
0x92: {  	[tilespmem:s26+$0xBD20] =	vst v1  }
0x93: {  	[tilespmem:s26+$0xBD30] =	vst v1  }
0x94: {  	[tilespmem:s26+$0xBD40] =	vst v1  }
0x95: {  	[tilespmem:s26+$0xBD50] =	vst v1  }
0x96: {  	[tilespmem:s26+$0xBD60] =	vst v1  }
0x97: {  	[tilespmem:s26+$0xBD70] =	vst v1  }
0x98: {  	[tilespmem:s26+$0xC100] =	vst v1  }
0x99: {  	[tilespmem:s26+$0xC110] =	vst v1  }
0x9a: {  	[tilespmem:s26+$0xC120] =	vst v1  }
0x9b: {  	[tilespmem:s26+$0xC130] =	vst v1  }
0x9c: {  	[tilespmem:s26+$0xC140] =	vst v1  }
0x9d: {  	[tilespmem:s26+$0xC150] =	vst v1  }
0x9e: {  	[tilespmem:s26+$0xC160] =	vst v1  }
0x9f: {  	[tilespmem:s26+$0xC170] =	vst v1  }
0xa0: {  	[tilespmem:s26+$0xC500] =	vst v1  }
0xa1: {  	[tilespmem:s26+$0xC510] =	vst v1  }
0xa2: {  	[tilespmem:s26+$0xC520] =	vst v1  }
0xa3: {  	[tilespmem:s26+$0xC530] =	vst v1  }
0xa4: {  	[tilespmem:s26+$0xC540] =	vst v1  }
0xa5: {  	[tilespmem:s26+$0xC550] =	vst v1  }
0xa6: {  	[tilespmem:s26+$0xC560] =	vst v1  }
0xa7: {  	[tilespmem:s26+$0xC570] =	vst v1  }
0xa8: {  	[tilespmem:s26+$0xC900] =	vst v1  }
0xa9: {  	[tilespmem:s26+$0xC910] =	vst v1  }
0xaa: {  	[tilespmem:s26+$0xC920] =	vst v1  }
0xab: {  	v4 =	vor.u32 s24, v0;
	[tilespmem:s26+$0xC930] =	vst v1  }
0xac: {  	v3 =	vmul.u32 $0x32, v4;
	[tilespmem:s26+$0xC940] =	vst v1  }
0xad: {  	[tilespmem:s26+$0xC950] =	vst v1  }
0xae: {  	[tilespmem:s26+$0xC960] =	vst v1  }
0xaf: {  	_ =	swait.ge [sflag:s15], $0x2800  }
0xb0: {  	[sflag:s15] =	ssyncset.done $0x0  }
0xb1: {  	[sflag:s15] =	ssyncadd.s32 $0xFFFFD800  }
0xb2: {  	v5 =	vld.idx.msk [tilespmem:v3+s13+$0x0], $0xffff;
	_ =	sdelay $0x2  }
0xb3: {  	v4 =	vshrl.u32 v4, $0x3  }
0xb4: {  	v4 =	vmul.u32 $0x1400, v4  }
0xb5: {  	v6 =	vshll.u32 v5, $0x3  }
0xb6: {  	v4 =	vor.u32 v2, v4;
	v6 =	vand.u32 $0xFFFFFC00, v6  }
0xb7: {  	v7 =	vand.u32 $0x7F, v5;
	v6 =	vadd.s32 v4, v6  }
0xb8: {  	v6 =	vor.u32 v7, v6;
	_ =	sdelay $0x4  }
0xb9: {  	v6 =	vld.idx.msk [tilespmem:v6+s3+$0x0], $0xffff;
	_ =	sdelay $0x1  }
0xba: {  	s31 =	simm.s32 $0x0;
	v7 =	vor.u32 $0x1, v3  }
0xbb: {  	v9 =	vadd.s32 s31, v7  }
0xbc: {  	vm0 =	veq.s32 v5, $0x258  }
0xbd: {  	v5 =	vimm.f32 $-1.000000020e+20;
	v8 =	vsel vm0, $0xE0AD78EC, v6  }
0xbe: {  	s25 =	simm.s32 $0x15900;
	v6 =	vmax.f32 v5, v8  }
0xbf: {  	[tilespmem:s25+$0x0] =	vst v8;
	v5 =	vsub.f32 v5, v6  }
0xc0: {  	v10 =	vsub.f32 v8, v6;
	v9 =	vld.idx.msk [tilespmem:v9+s13+$0x0], $0xffff  }
0xc1: {  	v5 =	vmul.f32 $1.442695020e+00, v5  }
0xc2: {  	v10 =	vmul.f32 $1.442695020e+00, v10  }
0xc3: {  	(erf) = vpow2.f32 v5  }
0xc4: {  	s29 =	simm.s32 $0x3;
	s28 =	simm.s32 $0x2;
	s26 =	simm.s32 $0x1;
	v8 =	vmov v6;
	v5 =	vimm.f32 $0.0e+00;
	(erf) = vpow2.f32 v10  }
.LBB2_5:
0xc5: {  	p1 =	sne.s32 s29, $0x31;
	v10 =	vshll.u32 v9, $0x3  }
0xc6: {  	v10 =	vand.u32 $0xFFFFFC00, v10  }
0xc7: {  	v11 =	vand.u32 $0x7F, v9;
	v10 =	vadd.s32 v4, v10  }
0xc8: {  	v10 =	vor.u32 v11, v10;
	_ =	sdelay $0x3  }
0xc9: {  	v11 =	vpop (erf)  }
0xca: {  	v10 =	vld.idx.msk [tilespmem:v10+s3+$0x0], $0xffff;
	v5 =	vmul.f32 v11, v5;
	v11 =	vpop (erf);
	_ =	sdelay $0x1  }
0xcb: {  	v5 =	vadd.f32 v5, v11  }
0xcc: {  	v11 =	vadd.s32 s26, v7;
	s26 =	smov.u32 s28;
	s28 =	smov.u32 s29;
	_ =	sdelay $0x1  }
0xcd: {  	vm0 =	veq.s32 v9, $0x258  }
0xce: {  	s25 =	sadd.s32 $0x10, s25;
	v10 =	vsel vm0, $0xE0AD78EC, v10  }
0xcf: {  	v6 =	vmax.f32 v6, v10;
	[tilespmem:s25+$0x0] =	vst v10  }
0xd0: {  	v10 =	vsub.f32 v10, v6;
	v9 =	vld.idx.msk [tilespmem:v11+s13+$0x0], $0xffff;
	v11 =	vsub.f32 v8, v6;
	v8 =	vmov v6  }
.Ltmp3:
0xd1: {  	(pc) =	sbr.rel @p1 .LBB2_5-.Ltmp3, $3  }
0xd2: {  	v10 =	vmul.f32 $1.442695020e+00, v10;
	v11 =	vmul.f32 $1.442695020e+00, v11;
	_ =	sdelay $0x1  }
0xd3: {  	(erf) = vpow2.f32 v11  }
0xd4: {  	s29 =	sadd.s32 $0x1, s29;
	(erf) = vpow2.f32 v10  }
0xd5: {  	v10 =	vshll.u32 v9, $0x3  }
0xd6: {  	v10 =	vand.u32 $0xFFFFFC00, v10  }
0xd7: {  	v11 =	vand.u32 $0x7F, v9;
	v10 =	vadd.s32 v4, v10  }
0xd8: {  	v10 =	vor.u32 v11, v10;
	_ =	sdelay $0x4  }
0xd9: {  	v10 =	vld.idx.msk [tilespmem:v10+s3+$0x0], $0xffff;
	_ =	sdelay $0x1  }
0xda: {  	v7 =	vadd.s32 s26, v7;
	_ =	sdelay $0x1  }
0xdb: {  	vm0 =	veq.s32 v9, $0x258  }
0xdc: {  	s25 =	sadd.s32 $0x10, s25;
	v9 =	vsel vm0, $0xE0AD78EC, v10  }
0xdd: {  	[tilespmem:s25+$0x0] =	vst v9  }
0xde: {  	v7 =	vld.idx.msk [tilespmem:v7+s13+$0x0], $0xffff;
	_ =	sdelay $0x4  }
0xdf: {  	v60 =	vshll.u32 v7, $0x3  }
0xe0: {  	v10 =	vand.u32 $0xFFFFFC00, v60  }
0xe1: {  	v61 =	vand.u32 $0x7F, v7;
	v10 =	vadd.s32 v4, v10  }
0xe2: {  	v10 =	vor.u32 v61, v10;
	_ =	sdelay $0x4  }
0xe3: {  	v10 =	vld.idx.msk [tilespmem:v10+s3+$0x0], $0xffff;
	_ =	sdelay $0x1  }
0xe4: {  	v62 =	vmax.f32 v6, v9  }
0xe5: {  	v6 =	vsub.f32 v8, v62  }
0xe6: {  	vm15 =	veq.s32 v7, $0x258  }
0xe7: {  	v8 =	vmul.f32 $1.442695020e+00, v6;
	v7 =	vsub.f32 v9, v62;
	v63 =	vsel vm15, $0xE0AD78EC, v10  }
0xe8: {  	v6 =	vmax.f32 v62, v63  }
0xe9: {  	(erf) = vpow2.f32 v8;
	v7 =	vmul.f32 $1.442695020e+00, v7;
	v8 =	vsub.f32 v62, v6;
	_ =	sdelay $0x1  }
0xea: {  	(erf) = vpow2.f32 v7;
	v7 =	vsub.f32 v63, v6;
	v8 =	vmul.f32 $1.442695020e+00, v8;
	_ =	sdelay $0x1  }
0xeb: {  	v7 =	vmul.f32 $1.442695020e+00, v7  }
0xec: {  	(erf) = vpow2.f32 v8  }
0xed: {  	v8 =	vpop (erf)  }
0xee: {  	(erf) = vpow2.f32 v7;
	v5 =	vmul.f32 v8, v5  }
0xef: {  	v7 =	vpop (erf)  }
0xf0: {  	v5 =	vadd.f32 v5, v7  }
0xf1: {  	v7 =	vpop (erf)  }
0xf2: {  	v5 =	vmul.f32 v7, v5  }
0xf3: {  	v7 =	vpop (erf)  }
0xf4: {  	v5 =	vadd.f32 v5, v7  }
0xf5: {  	v7 =	vpop (erf)  }
0xf6: {  	v5 =	vmul.f32 v7, v5  }
0xf7: {  	v7 =	vpop (erf)  }
0xf8: {  	v5 =	vadd.f32 v5, v7;
	_ =	sdelay $0x1  }
0xf9: {  	(erf) = vrcp.f32 v5;
	_ =	sdelay $0x5  }
0xfa: {  	s25 =	sadd.s32 $0x10, s25  }
0xfb: {  	[tilespmem:s25+$0x0] =	vst v63;
	s25 =	simm.s32 $0x15900  }
0xfc: {  	v7 =	vld [tilespmem:s25+$0x0]  }
0xfd: {  	s26 =	simm.s32 $0x0;
	s28 =	simm.s32 $0x1;
	v5 =	vpop (erf)  }
.LBB2_7:
0xfe: {  	p1 =	sne.s32 s28, $0x31  }
0xff: {  	v8 =	vadd.s32 s26, v3;
	s26 =	smov.u32 s28;
	_ =	sdelay $0x1  }
0x100: {  	v7 =	vsub.f32 v7, v6;
	_ =	sdelay $0x1  }
0x101: {  	v7 =	vmul.f32 $1.442695020e+00, v7  }
0x102: {  	v9 =	vld.idx.msk [tilespmem:v8+s13+$0x0], $0xffff  }
0x103: {  	(erf) = vpow2.f32 v7;
	_ =	sdelay $0x4  }
0x104: {  	v7 =	vshll.u32 v9, $0x3  }
0x105: {  	v7 =	vand.u32 $0xFFFFFC00, v7  }
0x106: {  	v10 =	vand.u32 $0x7F, v9;
	v7 =	vadd.s32 v4, v7  }
0x107: {  	v7 =	vor.u32 v10, v7  }
0x108: {  	v9 =	vpop (erf)  }
0x109: {  	v9 =	vmul.f32 v9, v5  }
.Ltmp4:
0x10a: {  	(pc) =	sbr.rel @p1 .LBB2_7-.Ltmp4, $4  }
0x10b: {  	[tilespmem:v8+s16+$0x0] =	vst.idx.msk $0xffff, v9  }
0x10c: {  	s25 =	sadd.s32 $0x10, s25;
	[tilespmem:v7+s17+$0x0] =	vst.idx.add.f32.msk $0xffff, v9  }
0x10d: {  	v7 =	vld [tilespmem:s25+$0x0]  }
0x10e: {  	s28 =	sadd.s32 $0x1, s28  }
0x10f: {  	_ =	sdelay $0x1  }
0x110: {  	v3 =	vadd.s32 s26, v3  }
0x111: {  	v6 =	vsub.f32 v7, v6;
	_ =	sdelay $0x1  }
0x112: {  	v6 =	vmul.f32 $1.442695020e+00, v6;
	_ =	sdelay $0x1  }
0x113: {  	v61 =	vld.idx.msk [tilespmem:v3+s13+$0x0], $0xffff;
	(erf) = vpow2.f32 v6;
	_ =	sdelay $0x4  }
0x114: {  	v62 =	vshll.u32 v61, $0x3  }
0x115: {  	v6 =	vand.u32 $0xFFFFFC00, v62  }
0x116: {  	v7 =	vand.u32 $0x7F, v61;
	v4 =	vadd.s32 v4, v6  }
0x117: {  	v4 =	vor.u32 v7, v4  }
0x118: {  	s24 =	sor.u32 s5, s24;
	v63 =	vpop (erf)  }
0x119: {  	s25 =	smul.u32 $0x14000, s23;
	s31 =	sshrl.u32 s24, $0x3;
	v5 =	vmul.f32 v63, v5  }
0x11a: {  	s26 =	smul.u32 $0x280, s31  }
0x11b: {  	s28 =	smul.u32 $0x1900, s23;
	s25 =	sshra.s32 s25, $0x2;
	[tilespmem:v3+s16+$0x0] =	vst.idx.msk $0xffff, v5  }
0x11c: {  	s24 =	smul.u32 $0x32, s24;
	s25 =	sadd.s32 $0xB900, s25;
	s26 =	sadd.s32 s4, s26;
	[tilespmem:v4+s17+$0x0] =	vst.idx.add.f32.msk $0xffff, v5  }
0x11d: {  	[hbm4b:s26+s3] =	stream.linear.scatter [tilespmem:s25], [sflag:$0x3], $0x2800, $0x38;
	[tilespmem:$0x15C80] =	vst v63  }
0x11e: {  	s24 =	sshrl.u32 s24, $0x3;
	s26 =	sshra.s32 s28, $0x2  }
0x11f: {  	s31 =	sshll.u32 s23, $0x1;
	s24 =	sadd.s32 s2, s24;
	s25 =	sadd.s32 $0xAC80, s26  }
0x120: {  	[hbm4b:s24+s3] =	stream.linear.scatter [tilespmem:s25], [sflag:$0x4], $0x320, $0x38;
	[tilespmem:$0x15C80] =	vst v63  }
0x121: {  	s23 =	sor.u32 $0x1, s31;
	s24 =	simm.s32 @p0 $0x0;
	s25 =	simm.s32 @p0 $0x5000  }
0x122: {  	[tilespmem:s25], [sflag:$0x1] =	stream.linear.gather @p0 [hbm4b:s9+s24], $0x2800, $0x38;
	[tilespmem:$0x15C80] =	vst v63  }
0x123: {  	s24 =	sshll.u32 s23, $0x4  }
0x124: {  	s26 =	sshrl.u32 s24, $0x3  }
0x125: {  	s25 =	smul.u32 $0x5000, s26  }
0x126: {  	s31 =	simm.s32 $0x0  }
0x127: {  	s26 =	sand.u32 $0x380, s31;
	s25 =	sshra.s32 s25, $0x2  }
0x128: {  	s25 =	sor.u32 s26, s25  }
0x129: {  	[tilespmem:s25+$0xC970] =	vst v1  }
0x12a: {  	[tilespmem:s25+$0xB900] =	vst v1  }
0x12b: {  	[tilespmem:s25+$0xB910] =	vst v1  }
0x12c: {  	[tilespmem:s25+$0xB920] =	vst v1  }
0x12d: {  	[tilespmem:s25+$0xB930] =	vst v1  }
0x12e: {  	[tilespmem:s25+$0xB940] =	vst v1  }
0x12f: {  	[tilespmem:s25+$0xB950] =	vst v1  }
0x130: {  	[tilespmem:s25+$0xB960] =	vst v1  }
0x131: {  	[tilespmem:s25+$0xB970] =	vst v1  }
0x132: {  	[tilespmem:s25+$0xBD00] =	vst v1  }
0x133: {  	[tilespmem:s25+$0xBD10] =	vst v1  }
0x134: {  	[tilespmem:s25+$0xBD20] =	vst v1  }
0x135: {  	[tilespmem:s25+$0xBD30] =	vst v1  }
0x136: {  	[tilespmem:s25+$0xBD40] =	vst v1  }
0x137: {  	[tilespmem:s25+$0xBD50] =	vst v1  }
0x138: {  	[tilespmem:s25+$0xBD60] =	vst v1  }
0x139: {  	[tilespmem:s25+$0xBD70] =	vst v1  }
0x13a: {  	[tilespmem:s25+$0xC100] =	vst v1  }
0x13b: {  	[tilespmem:s25+$0xC110] =	vst v1  }
0x13c: {  	[tilespmem:s25+$0xC120] =	vst v1  }
0x13d: {  	[tilespmem:s25+$0xC130] =	vst v1  }
0x13e: {  	[tilespmem:s25+$0xC140] =	vst v1  }
0x13f: {  	[tilespmem:s25+$0xC150] =	vst v1  }
0x140: {  	[tilespmem:s25+$0xC160] =	vst v1  }
0x141: {  	[tilespmem:s25+$0xC170] =	vst v1  }
0x142: {  	[tilespmem:s25+$0xC500] =	vst v1  }
0x143: {  	[tilespmem:s25+$0xC510] =	vst v1  }
0x144: {  	[tilespmem:s25+$0xC520] =	vst v1  }
0x145: {  	[tilespmem:s25+$0xC530] =	vst v1  }
0x146: {  	[tilespmem:s25+$0xC540] =	vst v1  }
0x147: {  	[tilespmem:s25+$0xC550] =	vst v1  }
0x148: {  	[tilespmem:s25+$0xC560] =	vst v1  }
0x149: {  	[tilespmem:s25+$0xC570] =	vst v1  }
0x14a: {  	[tilespmem:s25+$0xC900] =	vst v1  }
0x14b: {  	s28 =	sadd.s32 $0x1, s24;
	[tilespmem:s25+$0xC910] =	vst v1  }
0x14c: {  	s29 =	simm.s32 $0x100;
	s30 =	sshrl.u32 s28, $0x3;
	s26 =	simm.s32 $0x80;
	[tilespmem:s25+$0xC920] =	vst v1  }
.LBB2_9:
0x14d: {  	p1 =	sne.s32 s29, $0x780;
	s30 =	smul.u32 $0x5000, s30;
	[tilespmem:s25+$0xC930] =	vst v1  }
0x14e: {  	[tilespmem:s25+$0xC940] =	vst v1  }
0x14f: {  	s31 =	sand.u32 $0x380, s26;
	s26 =	smov.u32 s29;
	s30 =	sshra.s32 s30, $0x2;
	[tilespmem:s25+$0xC950] =	vst v1  }
0x150: {  	[tilespmem:s25+$0xC960] =	vst v1;
	s25 =	sor.u32 s31, s30  }
0x151: {  	[tilespmem:s25+$0xC970] =	vst v1  }
0x152: {  	[tilespmem:s25+$0xB900] =	vst v1  }
0x153: {  	[tilespmem:s25+$0xB910] =	vst v1  }
0x154: {  	[tilespmem:s25+$0xB920] =	vst v1  }
0x155: {  	[tilespmem:s25+$0xB930] =	vst v1  }
0x156: {  	[tilespmem:s25+$0xB940] =	vst v1  }
0x157: {  	[tilespmem:s25+$0xB950] =	vst v1  }
0x158: {  	[tilespmem:s25+$0xB960] =	vst v1  }
0x159: {  	[tilespmem:s25+$0xB970] =	vst v1  }
0x15a: {  	[tilespmem:s25+$0xBD00] =	vst v1  }
0x15b: {  	[tilespmem:s25+$0xBD10] =	vst v1  }
0x15c: {  	[tilespmem:s25+$0xBD20] =	vst v1  }
0x15d: {  	[tilespmem:s25+$0xBD30] =	vst v1  }
0x15e: {  	[tilespmem:s25+$0xBD40] =	vst v1  }
0x15f: {  	[tilespmem:s25+$0xBD50] =	vst v1  }
0x160: {  	[tilespmem:s25+$0xBD60] =	vst v1  }
0x161: {  	[tilespmem:s25+$0xBD70] =	vst v1  }
0x162: {  	[tilespmem:s25+$0xC100] =	vst v1  }
0x163: {  	[tilespmem:s25+$0xC110] =	vst v1  }
0x164: {  	[tilespmem:s25+$0xC120] =	vst v1  }
0x165: {  	[tilespmem:s25+$0xC130] =	vst v1  }
0x166: {  	[tilespmem:s25+$0xC140] =	vst v1  }
0x167: {  	[tilespmem:s25+$0xC150] =	vst v1  }
0x168: {  	[tilespmem:s25+$0xC160] =	vst v1  }
0x169: {  	[tilespmem:s25+$0xC170] =	vst v1  }
0x16a: {  	[tilespmem:s25+$0xC500] =	vst v1  }
0x16b: {  	[tilespmem:s25+$0xC510] =	vst v1  }
0x16c: {  	[tilespmem:s25+$0xC520] =	vst v1  }
0x16d: {  	[tilespmem:s25+$0xC530] =	vst v1  }
0x16e: {  	[tilespmem:s25+$0xC540] =	vst v1  }
0x16f: {  	[tilespmem:s25+$0xC550] =	vst v1  }
.Ltmp5:
0x170: {  	[tilespmem:s25+$0xC560] =	vst v1;
	(pc) =	sbr.rel @p1 .LBB2_9-.Ltmp5, $4  }
0x171: {  	[tilespmem:s25+$0xC570] =	vst v1  }
0x172: {  	[tilespmem:s25+$0xC900] =	vst v1  }
0x173: {  	s28 =	sadd.s32 $0x1, s28;
	[tilespmem:s25+$0xC910] =	vst v1  }
0x174: {  	s29 =	sadd.s32 $0x80, s29;
	s30 =	sshrl.u32 s28, $0x3;
	[tilespmem:s25+$0xC920] =	vst v1  }
0x175: {  	s28 =	smul.u32 $0x5000, s30;
	[tilespmem:s25+$0xC930] =	vst v1  }
0x176: {  	[tilespmem:s25+$0xC940] =	vst v1  }
0x177: {  	s26 =	sand.u32 $0x380, s26;
	[tilespmem:s25+$0xC950] =	vst v1;
	s28 =	sshra.s32 s28, $0x2  }
0x178: {  	[tilespmem:s25+$0xC960] =	vst v1;
	s26 =	sor.u32 s26, s28  }
0x179: {  	[tilespmem:s26+$0xC970] =	vst v1  }
0x17a: {  	[tilespmem:s26+$0xB900] =	vst v1  }
0x17b: {  	[tilespmem:s26+$0xB910] =	vst v1  }
0x17c: {  	[tilespmem:s26+$0xB920] =	vst v1  }
0x17d: {  	[tilespmem:s26+$0xB930] =	vst v1  }
0x17e: {  	[tilespmem:s26+$0xB940] =	vst v1  }
0x17f: {  	[tilespmem:s26+$0xB950] =	vst v1  }
0x180: {  	[tilespmem:s26+$0xB960] =	vst v1  }
0x181: {  	[tilespmem:s26+$0xB970] =	vst v1  }
0x182: {  	[tilespmem:s26+$0xBD00] =	vst v1  }
0x183: {  	[tilespmem:s26+$0xBD10] =	vst v1  }
0x184: {  	[tilespmem:s26+$0xBD20] =	vst v1  }
0x185: {  	[tilespmem:s26+$0xBD30] =	vst v1  }
0x186: {  	[tilespmem:s26+$0xBD40] =	vst v1  }
0x187: {  	[tilespmem:s26+$0xBD50] =	vst v1  }
0x188: {  	[tilespmem:s26+$0xBD60] =	vst v1  }
0x189: {  	[tilespmem:s26+$0xBD70] =	vst v1  }
0x18a: {  	[tilespmem:s26+$0xC100] =	vst v1  }
0x18b: {  	[tilespmem:s26+$0xC110] =	vst v1  }
0x18c: {  	[tilespmem:s26+$0xC120] =	vst v1  }
0x18d: {  	[tilespmem:s26+$0xC130] =	vst v1  }
0x18e: {  	[tilespmem:s26+$0xC140] =	vst v1  }
0x18f: {  	[tilespmem:s26+$0xC150] =	vst v1  }
0x190: {  	[tilespmem:s26+$0xC160] =	vst v1  }
0x191: {  	[tilespmem:s26+$0xC170] =	vst v1  }
0x192: {  	[tilespmem:s26+$0xC500] =	vst v1  }
0x193: {  	[tilespmem:s26+$0xC510] =	vst v1  }
0x194: {  	[tilespmem:s26+$0xC520] =	vst v1  }
0x195: {  	[tilespmem:s26+$0xC530] =	vst v1  }
0x196: {  	[tilespmem:s26+$0xC540] =	vst v1  }
0x197: {  	[tilespmem:s26+$0xC550] =	vst v1  }
0x198: {  	[tilespmem:s26+$0xC560] =	vst v1  }
0x199: {  	[tilespmem:s26+$0xC570] =	vst v1  }
0x19a: {  	[tilespmem:s26+$0xC900] =	vst v1  }
0x19b: {  	[tilespmem:s26+$0xC910] =	vst v1  }
0x19c: {  	[tilespmem:s26+$0xC920] =	vst v1  }
0x19d: {  	v4 =	vor.u32 s24, v0;
	[tilespmem:s26+$0xC930] =	vst v1  }
0x19e: {  	v3 =	vmul.u32 $0x32, v4;
	[tilespmem:s26+$0xC940] =	vst v1  }
0x19f: {  	[tilespmem:s26+$0xC950] =	vst v1  }
0x1a0: {  	[tilespmem:s26+$0xC960] =	vst v1  }
0x1a1: {  	_ =	swait.ge [sflag:s18], $0x2800  }
0x1a2: {  	[sflag:s18] =	ssyncset.done $0x0  }
0x1a3: {  	[sflag:s18] =	ssyncadd.s32 $0xFFFFD800  }
0x1a4: {  	v5 =	vld.idx.msk [tilespmem:v3+s13+$0x0], $0xffff;
	_ =	sdelay $0x2  }
0x1a5: {  	v4 =	vshrl.u32 v4, $0x3  }
0x1a6: {  	v4 =	vmul.u32 $0x1400, v4  }
0x1a7: {  	v6 =	vshll.u32 v5, $0x3  }
0x1a8: {  	v4 =	vor.u32 v2, v4;
	v6 =	vand.u32 $0xFFFFFC00, v6  }
0x1a9: {  	v7 =	vand.u32 $0x7F, v5;
	v6 =	vadd.s32 v4, v6  }
0x1aa: {  	v6 =	vor.u32 v7, v6;
	_ =	sdelay $0x4  }
0x1ab: {  	v6 =	vld.idx.msk [tilespmem:v6+s3+$0x0], $0xffff;
	_ =	sdelay $0x1  }
0x1ac: {  	s31 =	simm.s32 $0x0;
	v7 =	vor.u32 $0x1, v3  }
0x1ad: {  	v9 =	vadd.s32 s31, v7  }
0x1ae: {  	vm0 =	veq.s32 v5, $0x258  }
0x1af: {  	v5 =	vimm.f32 $-1.000000020e+20;
	v8 =	vsel vm0, $0xE0AD78EC, v6  }
0x1b0: {  	s25 =	simm.s32 $0x15900;
	v6 =	vmax.f32 v5, v8  }
0x1b1: {  	[tilespmem:s25+$0x0] =	vst v8;
	v5 =	vsub.f32 v5, v6  }
0x1b2: {  	v10 =	vsub.f32 v8, v6;
	v9 =	vld.idx.msk [tilespmem:v9+s13+$0x0], $0xffff  }
0x1b3: {  	v5 =	vmul.f32 $1.442695020e+00, v5  }
0x1b4: {  	v10 =	vmul.f32 $1.442695020e+00, v10  }
0x1b5: {  	(erf) = vpow2.f32 v5  }
0x1b6: {  	s29 =	simm.s32 $0x3;
	s28 =	simm.s32 $0x2;
	s26 =	simm.s32 $0x1;
	v8 =	vmov v6;
	v5 =	vimm.f32 $0.0e+00;
	(erf) = vpow2.f32 v10  }
.LBB2_11:
0x1b7: {  	p1 =	sne.s32 s29, $0x31;
	v10 =	vshll.u32 v9, $0x3  }
0x1b8: {  	v10 =	vand.u32 $0xFFFFFC00, v10  }
0x1b9: {  	v11 =	vand.u32 $0x7F, v9;
	v10 =	vadd.s32 v4, v10  }
0x1ba: {  	v10 =	vor.u32 v11, v10;
	_ =	sdelay $0x3  }
0x1bb: {  	v11 =	vpop (erf)  }
0x1bc: {  	v10 =	vld.idx.msk [tilespmem:v10+s3+$0x0], $0xffff;
	v5 =	vmul.f32 v11, v5;
	v11 =	vpop (erf);
	_ =	sdelay $0x1  }
0x1bd: {  	v5 =	vadd.f32 v5, v11  }
0x1be: {  	v11 =	vadd.s32 s26, v7;
	s26 =	smov.u32 s28;
	s28 =	smov.u32 s29;
	_ =	sdelay $0x1  }
0x1bf: {  	vm0 =	veq.s32 v9, $0x258  }
0x1c0: {  	s25 =	sadd.s32 $0x10, s25;
	v10 =	vsel vm0, $0xE0AD78EC, v10  }
0x1c1: {  	v6 =	vmax.f32 v6, v10;
	[tilespmem:s25+$0x0] =	vst v10  }
0x1c2: {  	v10 =	vsub.f32 v10, v6;
	v9 =	vld.idx.msk [tilespmem:v11+s13+$0x0], $0xffff;
	v11 =	vsub.f32 v8, v6;
	v8 =	vmov v6  }
.Ltmp6:
0x1c3: {  	(pc) =	sbr.rel @p1 .LBB2_11-.Ltmp6, $3  }
0x1c4: {  	v10 =	vmul.f32 $1.442695020e+00, v10;
	v11 =	vmul.f32 $1.442695020e+00, v11;
	_ =	sdelay $0x1  }
0x1c5: {  	(erf) = vpow2.f32 v11  }
0x1c6: {  	s29 =	sadd.s32 $0x1, s29;
	(erf) = vpow2.f32 v10  }
0x1c7: {  	v10 =	vshll.u32 v9, $0x3  }
0x1c8: {  	v10 =	vand.u32 $0xFFFFFC00, v10  }
0x1c9: {  	v11 =	vand.u32 $0x7F, v9;
	v10 =	vadd.s32 v4, v10  }
0x1ca: {  	v10 =	vor.u32 v11, v10;
	_ =	sdelay $0x4  }
0x1cb: {  	v10 =	vld.idx.msk [tilespmem:v10+s3+$0x0], $0xffff;
	_ =	sdelay $0x1  }
0x1cc: {  	v7 =	vadd.s32 s26, v7;
	_ =	sdelay $0x1  }
0x1cd: {  	vm0 =	veq.s32 v9, $0x258  }
0x1ce: {  	s25 =	sadd.s32 $0x10, s25;
	v9 =	vsel vm0, $0xE0AD78EC, v10  }
0x1cf: {  	[tilespmem:s25+$0x0] =	vst v9  }
0x1d0: {  	v7 =	vld.idx.msk [tilespmem:v7+s13+$0x0], $0xffff;
	_ =	sdelay $0x4  }
0x1d1: {  	v60 =	vshll.u32 v7, $0x3  }
0x1d2: {  	v10 =	vand.u32 $0xFFFFFC00, v60  }
0x1d3: {  	v61 =	vand.u32 $0x7F, v7;
	v10 =	vadd.s32 v4, v10  }
0x1d4: {  	v10 =	vor.u32 v61, v10;
	_ =	sdelay $0x4  }
0x1d5: {  	v10 =	vld.idx.msk [tilespmem:v10+s3+$0x0], $0xffff;
	_ =	sdelay $0x1  }
0x1d6: {  	v62 =	vmax.f32 v6, v9  }
0x1d7: {  	v6 =	vsub.f32 v8, v62  }
0x1d8: {  	vm15 =	veq.s32 v7, $0x258  }
0x1d9: {  	v8 =	vmul.f32 $1.442695020e+00, v6;
	v7 =	vsub.f32 v9, v62;
	v63 =	vsel vm15, $0xE0AD78EC, v10  }
0x1da: {  	v6 =	vmax.f32 v62, v63  }
0x1db: {  	(erf) = vpow2.f32 v8;
	v7 =	vmul.f32 $1.442695020e+00, v7;
	v8 =	vsub.f32 v62, v6;
	_ =	sdelay $0x1  }
0x1dc: {  	(erf) = vpow2.f32 v7;
	v7 =	vsub.f32 v63, v6;
	v8 =	vmul.f32 $1.442695020e+00, v8;
	_ =	sdelay $0x1  }
0x1dd: {  	v7 =	vmul.f32 $1.442695020e+00, v7  }
0x1de: {  	(erf) = vpow2.f32 v8  }
0x1df: {  	v8 =	vpop (erf)  }
0x1e0: {  	(erf) = vpow2.f32 v7;
	v5 =	vmul.f32 v8, v5  }
0x1e1: {  	v7 =	vpop (erf)  }
0x1e2: {  	v5 =	vadd.f32 v5, v7  }
0x1e3: {  	v7 =	vpop (erf)  }
0x1e4: {  	v5 =	vmul.f32 v7, v5  }
0x1e5: {  	v7 =	vpop (erf)  }
0x1e6: {  	v5 =	vadd.f32 v5, v7  }
0x1e7: {  	v7 =	vpop (erf)  }
0x1e8: {  	v5 =	vmul.f32 v7, v5  }
0x1e9: {  	v7 =	vpop (erf)  }
0x1ea: {  	v5 =	vadd.f32 v5, v7;
	_ =	sdelay $0x1  }
0x1eb: {  	(erf) = vrcp.f32 v5;
	_ =	sdelay $0x5  }
0x1ec: {  	s25 =	sadd.s32 $0x10, s25  }
0x1ed: {  	[tilespmem:s25+$0x0] =	vst v63;
	s25 =	simm.s32 $0x15900  }
0x1ee: {  	v7 =	vld [tilespmem:s25+$0x0]  }
0x1ef: {  	s26 =	simm.s32 $0x0;
	s28 =	simm.s32 $0x1;
	v5 =	vpop (erf)  }
.LBB2_13:
0x1f0: {  	p1 =	sne.s32 s28, $0x31  }
0x1f1: {  	v8 =	vadd.s32 s26, v3;
	s26 =	smov.u32 s28;
	_ =	sdelay $0x1  }
0x1f2: {  	v7 =	vsub.f32 v7, v6;
	_ =	sdelay $0x1  }
0x1f3: {  	v7 =	vmul.f32 $1.442695020e+00, v7  }
0x1f4: {  	v9 =	vld.idx.msk [tilespmem:v8+s13+$0x0], $0xffff  }
0x1f5: {  	(erf) = vpow2.f32 v7;
	_ =	sdelay $0x4  }
0x1f6: {  	v7 =	vshll.u32 v9, $0x3  }
0x1f7: {  	v7 =	vand.u32 $0xFFFFFC00, v7  }
0x1f8: {  	v10 =	vand.u32 $0x7F, v9;
	v7 =	vadd.s32 v4, v7  }
0x1f9: {  	v7 =	vor.u32 v10, v7  }
0x1fa: {  	v9 =	vpop (erf)  }
0x1fb: {  	v9 =	vmul.f32 v9, v5  }
.Ltmp7:
0x1fc: {  	(pc) =	sbr.rel @p1 .LBB2_13-.Ltmp7, $4  }
0x1fd: {  	[tilespmem:v8+s16+$0x0] =	vst.idx.msk $0xffff, v9  }
0x1fe: {  	s25 =	sadd.s32 $0x10, s25;
	[tilespmem:v7+s17+$0x0] =	vst.idx.add.f32.msk $0xffff, v9  }
0x1ff: {  	v7 =	vld [tilespmem:s25+$0x0]  }
0x200: {  	s28 =	sadd.s32 $0x1, s28  }
0x201: {  	_ =	sdelay $0x1  }
0x202: {  	v3 =	vadd.s32 s26, v3  }
0x203: {  	v6 =	vsub.f32 v7, v6;
	_ =	sdelay $0x1  }
0x204: {  	v6 =	vmul.f32 $1.442695020e+00, v6;
	_ =	sdelay $0x1  }
0x205: {  	v61 =	vld.idx.msk [tilespmem:v3+s13+$0x0], $0xffff;
	(erf) = vpow2.f32 v6;
	_ =	sdelay $0x4  }
0x206: {  	v62 =	vshll.u32 v61, $0x3  }
0x207: {  	v6 =	vand.u32 $0xFFFFFC00, v62  }
0x208: {  	v7 =	vand.u32 $0x7F, v61;
	v4 =	vadd.s32 v4, v6  }
0x209: {  	s25 =	smul.u32 $0xA000, s23;
	v4 =	vor.u32 v7, v4  }
0x20a: {  	s24 =	sor.u32 s5, s24;
	s31 =	smul.u32 $0xC80, s23;
	v63 =	vpop (erf)  }
0x20b: {  	s30 =	sshrl.u32 s24, $0x3;
	s24 =	smul.u32 $0x32, s24;
	v5 =	vmul.f32 v63, v5  }
0x20c: {  	s26 =	smul.u32 $0x280, s30  }
.Ltmp8:
0x20d: {  	s25 =	sshra.s32 s25, $0x2;
	s23 =	sshra.s32 s31, $0x2;
	[tilespmem:v3+s16+$0x0] =	vst.idx.msk $0xffff, v5;
	(pc) =	sbr.rel @!p0 .LBB2_16-.Ltmp8, $4  }
0x20e: {  	s25 =	sadd.s32 $0xB900, s25;
	s24 =	sshrl.u32 s24, $0x3;
	s26 =	sadd.s32 s4, s26;
	[tilespmem:v4+s17+$0x0] =	vst.idx.add.f32.msk $0xffff, v5  }
0x20f: {  	[hbm4b:s26+s3] =	stream.linear.scatter [tilespmem:s25], [sflag:$0x3], $0x2800, $0x38;
	[tilespmem:$0x15C80] =	vst v63  }
0x210: {  	s23 =	sadd.s32 $0xAC80, s23;
	s24 =	sadd.s32 s2, s24  }
0x211: {  	[hbm4b:s24+s3] =	stream.linear.scatter [tilespmem:s23], [sflag:$0x4], $0x320, $0x38;
	[tilespmem:$0x15C80] =	vst v63  }
.Ltmp9:
0x212: {  	(pc) =	sbr.rel .LBB2_2-.Ltmp9, $3  }
0x213: {  	_ =	sdelay $0x1  }
0x214: {  	[tilespmem:s19], [sflag:$0x2] =	stream.linear.gather [hbm4b:s10+s3], $0x2800, $0x38;
	[tilespmem:$0x15C80] =	vst v63  }
0x215: {  	s23 =	simm.s32 $0x1;
	p0 =	por $0x0, $0x0  }
.LBB2_17:
0x216: {  	_ =	sfence.sel $0x180000  }
0x217: {  	[bflag:$0x0] =	sbarrier.arrive $0xFFFF  }
0x218: {  	p0 =	sne.s32 s1, $0x0;
	_ =	strace $0x90000047  }
0x219: {  	s0 =	sadd.s32 @!p0 $0x100000, s0;
	[bflag:$0x2] =	sbarrier.arrive $0xFFFF  }
0x21a: {  	[sflag:s0] =	ssyncadd.tile.s32 @!p0 $0x1;
	_ =	shalt  }
.Lfunc_end2:
_tile_overlayer_lowered:
.L_overlay_start_2:
0x21b: {  	(tag) =	ssettag $0x2  }
0x21c: {  	s0 =	rddreg [dreg:$0x0];
	s2 =	stileid.u32  }
0x21d: {  	s1 =	rddreg [dreg:$0x1];
	p0 =	sne.s32 s2, $0x0  }
0x21e: {  	s3 =	rddreg [dreg:$0x2];
	[bflag:$0x3] =	sbarrier.arrive $0xFFFF;
	s2 =	simm.s32 @!p0 $0x1C05  }
0x21f: {  	[timem:s3], [sflag:s2] =	dma.local @!p0 [hbm:s0], s1  }
0x220: {  	s0 =	simm.s32 @!p0 $0x5  }
0x221: {  	_ =	swait.ge @!p0 [sflag:s0], s1  }
0x222: {  	s1 =	ssub.s32 @!p0 $0x0, s1;
	[sflag:s0] =	ssyncset.done @!p0 $0x0  }
0x223: {  	[sflag:s0] =	ssyncadd.s32 @!p0 s1  }
0x224: {  	[bflag:$0x3] =	sbarrier.arrive $0xFFFF  }
0x225: {  	_ =	shalt  }

</sc_bundles>
